<compile_context>
chip_gen: v7x
topology: tpu7x:2x2x1
jax: 0.10.2.dev20260603
libtpu: 0.0.44.dev20260713+nightly
codegen_flags: <defaults>
</compile_context>

<pallas_src>
import functools

import jax
import jax.numpy as jnp
from jax import lax
from jax.experimental import pallas as pl
from jax.experimental.pallas import tpu as pltpu
from jax.experimental.pallas import tpu_sc as plsc

VOCAB = 2048
ROWS = 1024
NC = 2
NS = 16
LL = 16
NW = NC * NS
GCHUNK = 128


def _lse_body(xs_ref, mask_ref, w_ref, out_ref):
    i = pl.program_id(0)
    logits = jax.lax.dot_general(
        xs_ref[...], w_ref[...], (((1,), (0,)), ((), ())),
        preferred_element_type=jnp.float32)
    ex = jnp.exp(logits * mask_ref[...])
    s1 = jnp.sum(ex, axis=1)
    part = jnp.sum(jnp.log(s1)).reshape(1, 1)

    @pl.when(i == 0)
    def _():
        out_ref[...] = jnp.zeros_like(out_ref)

    out_ref[...] += part


def _make_sc_gather(n_rows):
    rpw = n_rows // NW
    nsl = rpw // LL
    nch = rpw // GCHUNK
    gpr = VOCAB // LL
    mesh = plsc.VectorSubcoreMesh(core_axis_name="c", subcore_axis_name="s")

    @functools.partial(
        pl.kernel, mesh=mesh,
        compiler_params=pltpu.CompilerParams(use_tc_tiling_on_sc=False),
        out_type=[jax.ShapeDtypeStruct((n_rows, LL), jnp.float32),
                  jax.ShapeDtypeStruct((n_rows, LL), jnp.float32)],
        scratch_types=[
            pltpu.VMEM((rpw,), jnp.int32),
            pltpu.VMEM((nch, GCHUNK), jnp.int32),
            pltpu.VMEM((nch, GCHUNK), jnp.int32),
            pltpu.VMEM((rpw, LL), jnp.float32),
            pltpu.VMEM((rpw, LL), jnp.float32),
            pltpu.SemaphoreType.DMA,
        ],
    )
    def sc_gather(mask16_hbm, wtab_hbm, tgt_hbm, mg_out, wg_out,
                  t_v, idxm_v, idxw_v, mg_v, wg_v, sem):
        wid = lax.axis_index("s") * NC + lax.axis_index("c")
        base = wid * rpw
        pltpu.sync_copy(tgt_hbm.at[pl.ds(base, rpw)], t_v)

        lane_iota = lax.iota(jnp.int32, 16)
        spc = GCHUNK // LL
        for s in range(nsl):
            tt = t_v[pl.ds(s * LL, LL)]
            rr = (base + s * LL) + lane_iota
            idxm_v[s // spc, pl.ds((s % spc) * LL, LL)] = (
                rr * gpr + lax.shift_right_logical(tt, 4))
            idxw_v[s // spc, pl.ds((s % spc) * LL, LL)] = tt

        for c in range(nch):
            sl = pl.ds(c * GCHUNK, GCHUNK)
            pltpu.async_copy(mask16_hbm.at[idxm_v.at[c]], mg_v.at[sl], sem).wait()
            pltpu.async_copy(wtab_hbm.at[idxw_v.at[c]], wg_v.at[sl], sem).wait()

        pltpu.sync_copy(mg_v, mg_out.at[pl.ds(base, rpw)])
        pltpu.sync_copy(wg_v, wg_out.at[pl.ds(base, rpw)])

    return sc_gather


def _fin_body(nrows_total, lse_ref, mg_ref, wg_ref, xsp_ref, oh_ref, out_ref):
    blk = mg_ref.shape[0]
    lg = jnp.sum((wg_ref[...] * xsp_ref[...]).reshape(blk, 8, LL), axis=-1)
    mt = jnp.sum((mg_ref[...] * oh_ref[...]).reshape(blk, 8, LL), axis=-1)
    total = lse_ref[0, 0] - jnp.sum(lg * mt)
    out_ref[...] = (total / nrows_total).reshape(1, 1)


def kernel(x, masked_output, W, b, Wv, bv):
    B, L, V = masked_output.shape
    N = B * L
    nsteps = N // ROWS

    xs = x[:, L:2 * L, :].reshape(N, 3)
    xs4 = jnp.concatenate([xs, jnp.ones((N, 1), jnp.float32)], axis=1)
    w4 = jnp.concatenate([W, b.reshape(1, V)], axis=0)
    tgt = x[:, L + 1:, 0].astype(jnp.int32).reshape(N)
    mask2d = masked_output.reshape(N, V)
    mask16 = masked_output.reshape(N * V // LL, LL)
    wtab = jnp.pad(w4.T, ((0, 0), (0, LL - 4)))
    xsp = jnp.pad(xs4, ((0, 0), (0, LL - 4))).reshape(N // 8, 8 * LL)
    oh = (jnp.arange(LL, dtype=jnp.int32)[None, :]
          == jnp.bitwise_and(tgt, LL - 1)[:, None]).astype(jnp.float32)
    oh = oh.reshape(N // 8, 8 * LL)

    lse_sum = pl.pallas_call(
        _lse_body,
        grid=(nsteps,),
        in_specs=[
            pl.BlockSpec((ROWS, 4), lambda i: (i, 0)),
            pl.BlockSpec((ROWS, V), lambda i: (i, 0)),
            pl.BlockSpec((4, V), lambda i: (0, 0)),
        ],
        out_specs=pl.BlockSpec((1, 1), lambda i: (0, 0)),
        out_shape=jax.ShapeDtypeStruct((1, 1), jnp.float32),
    )(xs4, mask2d, w4)

    mg, wg = _make_sc_gather(N)(mask16, wtab, tgt)

    out = pl.pallas_call(
        functools.partial(_fin_body, float(N)),
        out_shape=jax.ShapeDtypeStruct((1, 1), jnp.float32),
    )(lse_sum, mg.reshape(N // 8, 8 * LL), wg.reshape(N // 8, 8 * LL),
      xsp, oh)
    return out[0, 0]

# --- scband reference (transcript-rebuilt; emitter-appended) ---
"""Pipeline reference for scband-auto-regressive-wrapper-33346126086190 (READ-ONLY COPY).

The authoritative reference and input builder live on the scoring server;
editing this copy changes nothing except your own understanding.
"""

import jax, jax.numpy as jnp
import numpy as np

LATENT_LEN = 2048
VOCAB = 2048  # generate_len == vocab of the pointer head
D_FEAT = 3
B = 8
SEQ = 2 * LATENT_LEN + 1


def setup_inputs(seed: int = 0) -> dict:
    key = jax.random.key(seed)
    k1, k2, k3 = jax.random.split(key, 3)
    x = jax.random.uniform(k1, (B, SEQ, D_FEAT), dtype=jnp.float32)
    masked_output = jnp.ones((B, LATENT_LEN, VOCAB), dtype=jnp.float32)
    # Stand-in for the wrapped net (net.sequence_len == SEQ-1): a pointer-logit head
    # plus a value head, i.e. model(xi, mask) -> (logits[B,S,VOCAB], value[B,S,1]).
    W = jax.random.normal(k2, (D_FEAT, VOCAB), dtype=jnp.float32) * 0.02
    b = jnp.zeros((VOCAB,), dtype=jnp.float32)
    Wv = jax.random.normal(k3, (D_FEAT, 1), dtype=jnp.float32) * 0.02
    bv = jnp.zeros((1,), dtype=jnp.float32)
    return {"x": x, "masked_output": masked_output, "W": W, "b": b, "Wv": Wv, "bv": bv}


def reference(x, masked_output, W, b, Wv, bv):
    # AutoRegressiveWrapper.forward
    xi = x[:, :-1]                      # [B, SEQ-1, D_FEAT]
    xo = x[:, 1:, 0]                    # node-index channel
    xo = xo[:, LATENT_LEN:]             # [B, LATENT_LEN]
    # self.model(xi, masked_output) -> (out, value_out)
    out = jnp.einsum('bsd,dv->bsv', xi, W) + b          # [B, SEQ-1, VOCAB]
    value_out = jnp.einsum('bsd,dv->bsv', xi, Wv) + bv  # [B, SEQ-1, 1]
    out = out[:, -LATENT_LEN:, :] * masked_output       # [B, LATENT_LEN, VOCAB]
    logits_reorg = out.reshape(-1, out.shape[-1])       # [B*LATENT_LEN, VOCAB]
    targets_reorg = xo.reshape(-1).astype(jnp.int32)    # .long() in torch
    logp = jax.nn.log_softmax(logits_reorg, axis=-1)
    nll = -jnp.take_along_axis(logp, targets_reorg[:, None], axis=1)[:, 0]
    loss = jnp.mean(nll)                                # F.cross_entropy (mean)
    return loss

if __name__ == "__main__":
    import jax
    _d = setup_inputs()
    print(jax.jit(kernel)(*tuple(_d.values())))

</pallas_src>

<mosaic_0001>
#map = affine_map<(d0, d1) -> (0, 0)>
#map1 = affine_map<(d0, d1) -> (0)>
module attributes {stable_mosaic.version = 14 : i64} {
  func.func @sc_gather(%arg0: i32, %arg1: i32, %arg2: memref<2097152x16xf32, #tpu.memory_space<hbm>>, %arg3: memref<2048x16xf32, #tpu.memory_space<hbm>>, %arg4: memref<16384xi32, #tpu.memory_space<hbm>>, %arg5: memref<16384x16xf32, #tpu.memory_space<hbm>>, %arg6: memref<16384x16xf32, #tpu.memory_space<hbm>>, %arg7: memref<512xi32, #tpu.memory_space<vmem>>, %arg8: memref<4x128xi32, #tpu.memory_space<vmem>>, %arg9: memref<4x128xi32, #tpu.memory_space<vmem>>, %arg10: memref<512x16xf32, #tpu.memory_space<vmem>>, %arg11: memref<512x16xf32, #tpu.memory_space<vmem>>, %arg12: memref<!tpu.dma_semaphore, #tpu.memory_space<semaphore_mem>>) attributes {dimension_semantics = [#tpu.dimension_semantics<core_parallel>, #tpu.dimension_semantics<subcore_parallel>], iteration_bounds = array<i64: 2, 16>, scalar_prefetch = 0 : i64, scratch_operands = 6 : i64, tpu.core_type = #tpu.core_type<sc_vector_subcore>, window_params = [{transform_indices = #map}, {transform_indices = #map}, {transform_indices = #map1}, {transform_indices = #map}, {transform_indices = #map}]} {
    %mul3A = arith.constant 2 : i32
    %mul3A_0 = arith.muli %arg1, %mul3A : i32
    %add3A = arith.addi %mul3A_0, %arg0 : i32
    %mul3A_1 = arith.constant 512 : i32
    %mul3A_2 = arith.muli %add3A, %mul3A_1 : i32
    "tpu.region"() ({
      %run_scoped3A = tpu.sem_alloc : memref<!tpu.dma_semaphore, #tpu.memory_space<semaphore_mem>>
      %dma_start3A_990 = tpu.memref_slice %arg4[%mul3A_2] : memref<16384xi32, #tpu.memory_space<hbm>> -> memref<512xi32, #tpu.memory_space<hbm>>
      %dma_start3A_991 = tpu.memref_slice %arg4[%mul3A_2] : memref<16384xi32, #tpu.memory_space<hbm>> -> memref<512xi32, #tpu.memory_space<hbm>>
      tpu.enqueue_dma source(%dma_start3A_991 : memref<512xi32, #tpu.memory_space<hbm>>) target(%arg7 : memref<512xi32, #tpu.memory_space<vmem>>) target_semaphore(%run_scoped3A : memref<!tpu.dma_semaphore, #tpu.memory_space<semaphore_mem>>)
      %dma_wait3A_992 = tpu.memref_slice %arg4[%mul3A_2] : memref<16384xi32, #tpu.memory_space<hbm>> -> memref<512xi32, #tpu.memory_space<hbm>>
      %dma_wait3A_993 = tpu.memref_slice %arg4[%mul3A_2] : memref<16384xi32, #tpu.memory_space<hbm>> -> memref<512xi32, #tpu.memory_space<hbm>>
      tpu.wait_dma2 semaphore(%run_scoped3A : memref<!tpu.dma_semaphore, #tpu.memory_space<semaphore_mem>>) src(%dma_wait3A_993 : memref<512xi32, #tpu.memory_space<hbm>>) dst(%arg7 : memref<512xi32, #tpu.memory_space<vmem>>)
      tpu.yield
    }) : () -> ()
    %iota3A = tpu.iota {dimensions = array<i32: 0>} : vector<16xi32>
    %get3A = arith.constant 0 : index
    %get3A_3 = tpu.vector_load %arg7[%get3A] {strides = array<i32>} : memref<512xi32, #tpu.memory_space<vmem>>, vector<16xi32>,
    %get3A_4 = vector.shape_cast %get3A_3 : vector<16xi32> to vector<16xi32>
    %add3A_5 = arith.constant 0 : i32
    %add3A_6 = arith.addi %mul3A_2, %add3A_5 : i32
    %add3A_7 = vector.broadcast %add3A_6 : i32 to vector<16xi32>
    %add3A_8 = arith.addi %add3A_7, %iota3A : vector<16xi32>
    %mul3A_9 = arith.constant 128 : i32
    %mul3A_10 = vector.broadcast %mul3A_9 : i32 to vector<16xi32>
    %mul3A_11 = arith.muli %add3A_8, %mul3A_10 : vector<16xi32>
    %shift_right_logical3A = arith.constant 4 : i32
    %shift_right_logical3A_12 = vector.broadcast %shift_right_logical3A : i32 to vector<16xi32>
    %shift_right_logical3A_13 = arith.shrui %get3A_4, %shift_right_logical3A_12 : vector<16xi32>
    %add3A_14 = arith.addi %mul3A_11, %shift_right_logical3A_13 : vector<16xi32>
    %swap3A = arith.constant 0 : i32
    %swap3A_15 = arith.index_cast %swap3A : i32 to index
    %swap3A_16 = arith.constant 0 : index
    %swap3A_17 = tpu.vector_load %arg8[%swap3A_15, %swap3A_16] {strides = array<i32>} : memref<4x128xi32, #tpu.memory_space<vmem>>, vector<1x16xi32>,
    %swap3A_18 = vector.shape_cast %swap3A_17 : vector<1x16xi32> to vector<16xi32>
    %swap3A_19 = vector.shape_cast %add3A_14 : vector<16xi32> to vector<1x16xi32>
    tpu.vector_store %arg8[%swap3A_15, %swap3A_16], %swap3A_19 {strides = array<i32>} : memref<4x128xi32, #tpu.memory_space<vmem>>, vector<1x16xi32>,
    %swap3A_20 = arith.constant 0 : i32
    %swap3A_21 = arith.index_cast %swap3A_20 : i32 to index
    %swap3A_22 = arith.constant 0 : index
    %swap3A_23 = tpu.vector_load %arg9[%swap3A_21, %swap3A_22] {strides = array<i32>} : memref<4x128xi32, #tpu.memory_space<vmem>>, vector<1x16xi32>,
    %swap3A_24 = vector.shape_cast %swap3A_23 : vector<1x16xi32> to vector<16xi32>
    %swap3A_25 = vector.shape_cast %get3A_4 : vector<16xi32> to vector<1x16xi32>
    tpu.vector_store %arg9[%swap3A_21, %swap3A_22], %swap3A_25 {strides = array<i32>} : memref<4x128xi32, #tpu.memory_space<vmem>>, vector<1x16xi32>,
    %get3A_26 = arith.constant 16 : index
    %get3A_27 = tpu.vector_load %arg7[%get3A_26] {strides = array<i32>} : memref<512xi32, #tpu.memory_space<vmem>>, vector<16xi32>,
    %get3A_28 = vector.shape_cast %get3A_27 : vector<16xi32> to vector<16xi32>
    %add3A_29 = arith.constant 16 : i32
    %add3A_30 = arith.addi %mul3A_2, %add3A_29 : i32
    %add3A_31 = vector.broadcast %add3A_30 : i32 to vector<16xi32>
    %add3A_32 = arith.addi %add3A_31, %iota3A : vector<16xi32>
    %mul3A_33 = arith.constant 128 : i32
    %mul3A_34 = vector.broadcast %mul3A_33 : i32 to vector<16xi32>
    %mul3A_35 = arith.muli %add3A_32, %mul3A_34 : vector<16xi32>
    %shift_right_logical3A_36 = arith.constant 4 : i32
    %shift_right_logical3A_37 = vector.broadcast %shift_right_logical3A_36 : i32 to vector<16xi32>
    %shift_right_logical3A_38 = arith.shrui %get3A_28, %shift_right_logical3A_37 : vector<16xi32>
    %add3A_39 = arith.addi %mul3A_35, %shift_right_logical3A_38 : vector<16xi32>
    %swap3A_40 = arith.constant 0 : i32
    %swap3A_41 = arith.index_cast %swap3A_40 : i32 to index
    %swap3A_42 = arith.constant 16 : index
    %swap3A_43 = tpu.vector_load %arg8[%swap3A_41, %swap3A_42] {strides = array<i32>} : memref<4x128xi32, #tpu.memory_space<vmem>>, vector<1x16xi32>,
    %swap3A_44 = vector.shape_cast %swap3A_43 : vector<1x16xi32> to vector<16xi32>
    %swap3A_45 = vector.shape_cast %add3A_39 : vector<16xi32> to vector<1x16xi32>
    tpu.vector_store %arg8[%swap3A_41, %swap3A_42], %swap3A_45 {strides = array<i32>} : memref<4x128xi32, #tpu.memory_space<vmem>>, vector<1x16xi32>,
    %swap3A_46 = arith.constant 0 : i32
    %swap3A_47 = arith.index_cast %swap3A_46 : i32 to index
    %swap3A_48 = arith.constant 16 : index
    %swap3A_49 = tpu.vector_load %arg9[%swap3A_47, %swap3A_48] {strides = array<i32>} : memref<4x128xi32, #tpu.memory_space<vmem>>, vector<1x16xi32>,
    %swap3A_50 = vector.shape_cast %swap3A_49 : vector<1x16xi32> to vector<16xi32>
    %swap3A_51 = vector.shape_cast %get3A_28 : vector<16xi32> to vector<1x16xi32>
    tpu.vector_store %arg9[%swap3A_47, %swap3A_48], %swap3A_51 {strides = array<i32>} : memref<4x128xi32, #tpu.memory_space<vmem>>, vector<1x16xi32>,
    %get3A_52 = arith.constant 32 : index
    %get3A_53 = tpu.vector_load %arg7[%get3A_52] {strides = array<i32>} : memref<512xi32, #tpu.memory_space<vmem>>, vector<16xi32>,
    %get3A_54 = vector.shape_cast %get3A_53 : vector<16xi32> to vector<16xi32>
    %add3A_55 = arith.constant 32 : i32
    %add3A_56 = arith.addi %mul3A_2, %add3A_55 : i32
    %add3A_57 = vector.broadcast %add3A_56 : i32 to vector<16xi32>
    %add3A_58 = arith.addi %add3A_57, %iota3A : vector<16xi32>
    %mul3A_59 = arith.constant 128 : i32
    %mul3A_60 = vector.broadcast %mul3A_59 : i32 to vector<16xi32>
    %mul3A_61 = arith.muli %add3A_58, %mul3A_60 : vector<16xi32>
    %shift_right_logical3A_62 = arith.constant 4 : i32
    %shift_right_logical3A_63 = vector.broadcast %shift_right_logical3A_62 : i32 to vector<16xi32>
    %shift_right_logical3A_64 = arith.shrui %get3A_54, %shift_right_logical3A_63 : vector<16xi32>
    %add3A_65 = arith.addi %mul3A_61, %shift_right_logical3A_64 : vector<16xi32>
    %swap3A_66 = arith.constant 0 : i32
    %swap3A_67 = arith.index_cast %swap3A_66 : i32 to index
    %swap3A_68 = arith.constant 32 : index
    %swap3A_69 = tpu.vector_load %arg8[%swap3A_67, %swap3A_68] {strides = array<i32>} : memref<4x128xi32, #tpu.memory_space<vmem>>, vector<1x16xi32>,
    %swap3A_70 = vector.shape_cast %swap3A_69 : vector<1x16xi32> to vector<16xi32>
    %swap3A_71 = vector.shape_cast %add3A_65 : vector<16xi32> to vector<1x16xi32>
    tpu.vector_store %arg8[%swap3A_67, %swap3A_68], %swap3A_71 {strides = array<i32>} : memref<4x128xi32, #tpu.memory_space<vmem>>, vector<1x16xi32>,
    %swap3A_72 = arith.constant 0 : i32
    %swap3A_73 = arith.index_cast %swap3A_72 : i32 to index
    %swap3A_74 = arith.constant 32 : index
    %swap3A_75 = tpu.vector_load %arg9[%swap3A_73, %swap3A_74] {strides = array<i32>} : memref<4x128xi32, #tpu.memory_space<vmem>>, vector<1x16xi32>,
    %swap3A_76 = vector.shape_cast %swap3A_75 : vector<1x16xi32> to vector<16xi32>
    %swap3A_77 = vector.shape_cast %get3A_54 : vector<16xi32> to vector<1x16xi32>
    tpu.vector_store %arg9[%swap3A_73, %swap3A_74], %swap3A_77 {strides = array<i32>} : memref<4x128xi32, #tpu.memory_space<vmem>>, vector<1x16xi32>,
    %get3A_78 = arith.constant 48 : index
    %get3A_79 = tpu.vector_load %arg7[%get3A_78] {strides = array<i32>} : memref<512xi32, #tpu.memory_space<vmem>>, vector<16xi32>,
    %get3A_80 = vector.shape_cast %get3A_79 : vector<16xi32> to vector<16xi32>
    %add3A_81 = arith.constant 48 : i32
    %add3A_82 = arith.addi %mul3A_2, %add3A_81 : i32
    %add3A_83 = vector.broadcast %add3A_82 : i32 to vector<16xi32>
    %add3A_84 = arith.addi %add3A_83, %iota3A : vector<16xi32>
    %mul3A_85 = arith.constant 128 : i32
    %mul3A_86 = vector.broadcast %mul3A_85 : i32 to vector<16xi32>
    %mul3A_87 = arith.muli %add3A_84, %mul3A_86 : vector<16xi32>
    %shift_right_logical3A_88 = arith.constant 4 : i32
    %shift_right_logical3A_89 = vector.broadcast %shift_right_logical3A_88 : i32 to vector<16xi32>
    %shift_right_logical3A_90 = arith.shrui %get3A_80, %shift_right_logical3A_89 : vector<16xi32>
    %add3A_91 = arith.addi %mul3A_87, %shift_right_logical3A_90 : vector<16xi32>
    %swap3A_92 = arith.constant 0 : i32
    %swap3A_93 = arith.index_cast %swap3A_92 : i32 to index
    %swap3A_94 = arith.constant 48 : index
    %swap3A_95 = tpu.vector_load %arg8[%swap3A_93, %swap3A_94] {strides = array<i32>} : memref<4x128xi32, #tpu.memory_space<vmem>>, vector<1x16xi32>,
    %swap3A_96 = vector.shape_cast %swap3A_95 : vector<1x16xi32> to vector<16xi32>
    %swap3A_97 = vector.shape_cast %add3A_91 : vector<16xi32> to vector<1x16xi32>
    tpu.vector_store %arg8[%swap3A_93, %swap3A_94], %swap3A_97 {strides = array<i32>} : memref<4x128xi32, #tpu.memory_space<vmem>>, vector<1x16xi32>,
    %swap3A_98 = arith.constant 0 : i32
    %swap3A_99 = arith.index_cast %swap3A_98 : i32 to index
    %swap3A_100 = arith.constant 48 : index
    %swap3A_101 = tpu.vector_load %arg9[%swap3A_99, %swap3A_100] {strides = array<i32>} : memref<4x128xi32, #tpu.memory_space<vmem>>, vector<1x16xi32>,
    %swap3A_102 = vector.shape_cast %swap3A_101 : vector<1x16xi32> to vector<16xi32>
    %swap3A_103 = vector.shape_cast %get3A_80 : vector<16xi32> to vector<1x16xi32>
    tpu.vector_store %arg9[%swap3A_99, %swap3A_100], %swap3A_103 {strides = array<i32>} : memref<4x128xi32, #tpu.memory_space<vmem>>, vector<1x16xi32>,
    %get3A_104 = arith.constant 64 : index
    %get3A_105 = tpu.vector_load %arg7[%get3A_104] {strides = array<i32>} : memref<512xi32, #tpu.memory_space<vmem>>, vector<16xi32>,
    %get3A_106 = vector.shape_cast %get3A_105 : vector<16xi32> to vector<16xi32>
    %add3A_107 = arith.constant 64 : i32
    %add3A_108 = arith.addi %mul3A_2, %add3A_107 : i32
    %add3A_109 = vector.broadcast %add3A_108 : i32 to vector<16xi32>
    %add3A_110 = arith.addi %add3A_109, %iota3A : vector<16xi32>
    %mul3A_111 = arith.constant 128 : i32
    %mul3A_112 = vector.broadcast %mul3A_111 : i32 to vector<16xi32>
    %mul3A_113 = arith.muli %add3A_110, %mul3A_112 : vector<16xi32>
    %shift_right_logical3A_114 = arith.constant 4 : i32
    %shift_right_logical3A_115 = vector.broadcast %shift_right_logical3A_114 : i32 to vector<16xi32>
    %shift_right_logical3A_116 = arith.shrui %get3A_106, %shift_right_logical3A_115 : vector<16xi32>
    %add3A_117 = arith.addi %mul3A_113, %shift_right_logical3A_116 : vector<16xi32>
    %swap3A_118 = arith.constant 0 : i32
    %swap3A_119 = arith.index_cast %swap3A_118 : i32 to index
    %swap3A_120 = arith.constant 64 : index
    %swap3A_121 = tpu.vector_load %arg8[%swap3A_119, %swap3A_120] {strides = array<i32>} : memref<4x128xi32, #tpu.memory_space<vmem>>, vector<1x16xi32>,
    %swap3A_122 = vector.shape_cast %swap3A_121 : vector<1x16xi32> to vector<16xi32>
    %swap3A_123 = vector.shape_cast %add3A_117 : vector<16xi32> to vector<1x16xi32>
    tpu.vector_store %arg8[%swap3A_119, %swap3A_120], %swap3A_123 {strides = array<i32>} : memref<4x128xi32, #tpu.memory_space<vmem>>, vector<1x16xi32>,
    %swap3A_124 = arith.constant 0 : i32
    %swap3A_125 = arith.index_cast %swap3A_124 : i32 to index
    %swap3A_126 = arith.constant 64 : index
    %swap3A_127 = tpu.vector_load %arg9[%swap3A_125, %swap3A_126] {strides = array<i32>} : memref<4x128xi32, #tpu.memory_space<vmem>>, vector<1x16xi32>,
    %swap3A_128 = vector.shape_cast %swap3A_127 : vector<1x16xi32> to vector<16xi32>
    %swap3A_129 = vector.shape_cast %get3A_106 : vector<16xi32> to vector<1x16xi32>
    tpu.vector_store %arg9[%swap3A_125, %swap3A_126], %swap3A_129 {strides = array<i32>} : memref<4x128xi32, #tpu.memory_space<vmem>>, vector<1x16xi32>,
    %get3A_130 = arith.constant 80 : index
    %get3A_131 = tpu.vector_load %arg7[%get3A_130] {strides = array<i32>} : memref<512xi32, #tpu.memory_space<vmem>>, vector<16xi32>,
    %get3A_132 = vector.shape_cast %get3A_131 : vector<16xi32> to vector<16xi32>
    %add3A_133 = arith.constant 80 : i32
    %add3A_134 = arith.addi %mul3A_2, %add3A_133 : i32
    %add3A_135 = vector.broadcast %add3A_134 : i32 to vector<16xi32>
    %add3A_136 = arith.addi %add3A_135, %iota3A : vector<16xi32>
    %mul3A_137 = arith.constant 128 : i32
    %mul3A_138 = vector.broadcast %mul3A_137 : i32 to vector<16xi32>
    %mul3A_139 = arith.muli %add3A_136, %mul3A_138 : vector<16xi32>
    %shift_right_logical3A_140 = arith.constant 4 : i32
    %shift_right_logical3A_141 = vector.broadcast %shift_right_logical3A_140 : i32 to vector<16xi32>
    %shift_right_logical3A_142 = arith.shrui %get3A_132, %shift_right_logical3A_141 : vector<16xi32>
    %add3A_143 = arith.addi %mul3A_139, %shift_right_logical3A_142 : vector<16xi32>
    %swap3A_144 = arith.constant 0 : i32
    %swap3A_145 = arith.index_cast %swap3A_144 : i32 to index
    %swap3A_146 = arith.constant 80 : index
    %swap3A_147 = tpu.vector_load %arg8[%swap3A_145, %swap3A_146] {strides = array<i32>} : memref<4x128xi32, #tpu.memory_space<vmem>>, vector<1x16xi32>,
    %swap3A_148 = vector.shape_cast %swap3A_147 : vector<1x16xi32> to vector<16xi32>
    %swap3A_149 = vector.shape_cast %add3A_143 : vector<16xi32> to vector<1x16xi32>
    tpu.vector_store %arg8[%swap3A_145, %swap3A_146], %swap3A_149 {strides = array<i32>} : memref<4x128xi32, #tpu.memory_space<vmem>>, vector<1x16xi32>,
    %swap3A_150 = arith.constant 0 : i32
    %swap3A_151 = arith.index_cast %swap3A_150 : i32 to index
    %swap3A_152 = arith.constant 80 : index
    %swap3A_153 = tpu.vector_load %arg9[%swap3A_151, %swap3A_152] {strides = array<i32>} : memref<4x128xi32, #tpu.memory_space<vmem>>, vector<1x16xi32>,
    %swap3A_154 = vector.shape_cast %swap3A_153 : vector<1x16xi32> to vector<16xi32>
    %swap3A_155 = vector.shape_cast %get3A_132 : vector<16xi32> to vector<1x16xi32>
    tpu.vector_store %arg9[%swap3A_151, %swap3A_152], %swap3A_155 {strides = array<i32>} : memref<4x128xi32, #tpu.memory_space<vmem>>, vector<1x16xi32>,
    %get3A_156 = arith.constant 96 : index
    %get3A_157 = tpu.vector_load %arg7[%get3A_156] {strides = array<i32>} : memref<512xi32, #tpu.memory_space<vmem>>, vector<16xi32>,
    %get3A_158 = vector.shape_cast %get3A_157 : vector<16xi32> to vector<16xi32>
    %add3A_159 = arith.constant 96 : i32
    %add3A_160 = arith.addi %mul3A_2, %add3A_159 : i32
    %add3A_161 = vector.broadcast %add3A_160 : i32 to vector<16xi32>
    %add3A_162 = arith.addi %add3A_161, %iota3A : vector<16xi32>
    %mul3A_163 = arith.constant 128 : i32
    %mul3A_164 = vector.broadcast %mul3A_163 : i32 to vector<16xi32>
    %mul3A_165 = arith.muli %add3A_162, %mul3A_164 : vector<16xi32>
    %shift_right_logical3A_166 = arith.constant 4 : i32
    %shift_right_logical3A_167 = vector.broadcast %shift_right_logical3A_166 : i32 to vector<16xi32>
    %shift_right_logical3A_168 = arith.shrui %get3A_158, %shift_right_logical3A_167 : vector<16xi32>
    %add3A_169 = arith.addi %mul3A_165, %shift_right_logical3A_168 : vector<16xi32>
    %swap3A_170 = arith.constant 0 : i32
    %swap3A_171 = arith.index_cast %swap3A_170 : i32 to index
    %swap3A_172 = arith.constant 96 : index
    %swap3A_173 = tpu.vector_load %arg8[%swap3A_171, %swap3A_172] {strides = array<i32>} : memref<4x128xi32, #tpu.memory_space<vmem>>, vector<1x16xi32>,
    %swap3A_174 = vector.shape_cast %swap3A_173 : vector<1x16xi32> to vector<16xi32>
    %swap3A_175 = vector.shape_cast %add3A_169 : vector<16xi32> to vector<1x16xi32>
    tpu.vector_store %arg8[%swap3A_171, %swap3A_172], %swap3A_175 {strides = array<i32>} : memref<4x128xi32, #tpu.memory_space<vmem>>, vector<1x16xi32>,
    %swap3A_176 = arith.constant 0 : i32
    %swap3A_177 = arith.index_cast %swap3A_176 : i32 to index
    %swap3A_178 = arith.constant 96 : index
    %swap3A_179 = tpu.vector_load %arg9[%swap3A_177, %swap3A_178] {strides = array<i32>} : memref<4x128xi32, #tpu.memory_space<vmem>>, vector<1x16xi32>,
    %swap3A_180 = vector.shape_cast %swap3A_179 : vector<1x16xi32> to vector<16xi32>
    %swap3A_181 = vector.shape_cast %get3A_158 : vector<16xi32> to vector<1x16xi32>
    tpu.vector_store %arg9[%swap3A_177, %swap3A_178], %swap3A_181 {strides = array<i32>} : memref<4x128xi32, #tpu.memory_space<vmem>>, vector<1x16xi32>,
    %get3A_182 = arith.constant 112 : index
    %get3A_183 = tpu.vector_load %arg7[%get3A_182] {strides = array<i32>} : memref<512xi32, #tpu.memory_space<vmem>>, vector<16xi32>,
    %get3A_184 = vector.shape_cast %get3A_183 : vector<16xi32> to vector<16xi32>
    %add3A_185 = arith.constant 112 : i32
    %add3A_186 = arith.addi %mul3A_2, %add3A_185 : i32
    %add3A_187 = vector.broadcast %add3A_186 : i32 to vector<16xi32>
    %add3A_188 = arith.addi %add3A_187, %iota3A : vector<16xi32>
    %mul3A_189 = arith.constant 128 : i32
    %mul3A_190 = vector.broadcast %mul3A_189 : i32 to vector<16xi32>
    %mul3A_191 = arith.muli %add3A_188, %mul3A_190 : vector<16xi32>
    %shift_right_logical3A_192 = arith.constant 4 : i32
    %shift_right_logical3A_193 = vector.broadcast %shift_right_logical3A_192 : i32 to vector<16xi32>
    %shift_right_logical3A_194 = arith.shrui %get3A_184, %shift_right_logical3A_193 : vector<16xi32>
    %add3A_195 = arith.addi %mul3A_191, %shift_right_logical3A_194 : vector<16xi32>
    %swap3A_196 = arith.constant 0 : i32
    %swap3A_197 = arith.index_cast %swap3A_196 : i32 to index
    %swap3A_198 = arith.constant 112 : index
    %swap3A_199 = tpu.vector_load %arg8[%swap3A_197, %swap3A_198] {strides = array<i32>} : memref<4x128xi32, #tpu.memory_space<vmem>>, vector<1x16xi32>,
    %swap3A_200 = vector.shape_cast %swap3A_199 : vector<1x16xi32> to vector<16xi32>
    %swap3A_201 = vector.shape_cast %add3A_195 : vector<16xi32> to vector<1x16xi32>
    tpu.vector_store %arg8[%swap3A_197, %swap3A_198], %swap3A_201 {strides = array<i32>} : memref<4x128xi32, #tpu.memory_space<vmem>>, vector<1x16xi32>,
    %swap3A_202 = arith.constant 0 : i32
    %swap3A_203 = arith.index_cast %swap3A_202 : i32 to index
    %swap3A_204 = arith.constant 112 : index
    %swap3A_205 = tpu.vector_load %arg9[%swap3A_203, %swap3A_204] {strides = array<i32>} : memref<4x128xi32, #tpu.memory_space<vmem>>, vector<1x16xi32>,
    %swap3A_206 = vector.shape_cast %swap3A_205 : vector<1x16xi32> to vector<16xi32>
    %swap3A_207 = vector.shape_cast %get3A_184 : vector<16xi32> to vector<1x16xi32>
    tpu.vector_store %arg9[%swap3A_203, %swap3A_204], %swap3A_207 {strides = array<i32>} : memref<4x128xi32, #tpu.memory_space<vmem>>, vector<1x16xi32>,
    %get3A_208 = arith.constant 128 : index
    %get3A_209 = tpu.vector_load %arg7[%get3A_208] {strides = array<i32>} : memref<512xi32, #tpu.memory_space<vmem>>, vector<16xi32>,
    %get3A_210 = vector.shape_cast %get3A_209 : vector<16xi32> to vector<16xi32>
    %add3A_211 = arith.constant 128 : i32
    %add3A_212 = arith.addi %mul3A_2, %add3A_211 : i32
    %add3A_213 = vector.broadcast %add3A_212 : i32 to vector<16xi32>
    %add3A_214 = arith.addi %add3A_213, %iota3A : vector<16xi32>
    %mul3A_215 = arith.constant 128 : i32
    %mul3A_216 = vector.broadcast %mul3A_215 : i32 to vector<16xi32>
    %mul3A_217 = arith.muli %add3A_214, %mul3A_216 : vector<16xi32>
    %shift_right_logical3A_218 = arith.constant 4 : i32
    %shift_right_logical3A_219 = vector.broadcast %shift_right_logical3A_218 : i32 to vector<16xi32>
    %shift_right_logical3A_220 = arith.shrui %get3A_210, %shift_right_logical3A_219 : vector<16xi32>
    %add3A_221 = arith.addi %mul3A_217, %shift_right_logical3A_220 : vector<16xi32>
    %swap3A_222 = arith.constant 1 : i32
    %swap3A_223 = arith.index_cast %swap3A_222 : i32 to index
    %swap3A_224 = arith.constant 0 : index
    %swap3A_225 = tpu.vector_load %arg8[%swap3A_223, %swap3A_224] {strides = array<i32>} : memref<4x128xi32, #tpu.memory_space<vmem>>, vector<1x16xi32>,
    %swap3A_226 = vector.shape_cast %swap3A_225 : vector<1x16xi32> to vector<16xi32>
    %swap3A_227 = vector.shape_cast %add3A_221 : vector<16xi32> to vector<1x16xi32>
    tpu.vector_store %arg8[%swap3A_223, %swap3A_224], %swap3A_227 {strides = array<i32>} : memref<4x128xi32, #tpu.memory_space<vmem>>, vector<1x16xi32>,
    %swap3A_228 = arith.constant 1 : i32
    %swap3A_229 = arith.index_cast %swap3A_228 : i32 to index
    %swap3A_230 = arith.constant 0 : index
    %swap3A_231 = tpu.vector_load %arg9[%swap3A_229, %swap3A_230] {strides = array<i32>} : memref<4x128xi32, #tpu.memory_space<vmem>>, vector<1x16xi32>,
    %swap3A_232 = vector.shape_cast %swap3A_231 : vector<1x16xi32> to vector<16xi32>
    %swap3A_233 = vector.shape_cast %get3A_210 : vector<16xi32> to vector<1x16xi32>
    tpu.vector_store %arg9[%swap3A_229, %swap3A_230], %swap3A_233 {strides = array<i32>} : memref<4x128xi32, #tpu.memory_space<vmem>>, vector<1x16xi32>,
    %get3A_234 = arith.constant 144 : index
    %get3A_235 = tpu.vector_load %arg7[%get3A_234] {strides = array<i32>} : memref<512xi32, #tpu.memory_space<vmem>>, vector<16xi32>,
    %get3A_236 = vector.shape_cast %get3A_235 : vector<16xi32> to vector<16xi32>
    %add3A_237 = arith.constant 144 : i32
    %add3A_238 = arith.addi %mul3A_2, %add3A_237 : i32
    %add3A_239 = vector.broadcast %add3A_238 : i32 to vector<16xi32>
    %add3A_240 = arith.addi %add3A_239, %iota3A : vector<16xi32>
    %mul3A_241 = arith.constant 128 : i32
    %mul3A_242 = vector.broadcast %mul3A_241 : i32 to vector<16xi32>
    %mul3A_243 = arith.muli %add3A_240, %mul3A_242 : vector<16xi32>
    %shift_right_logical3A_244 = arith.constant 4 : i32
    %shift_right_logical3A_245 = vector.broadcast %shift_right_logical3A_244 : i32 to vector<16xi32>
    %shift_right_logical3A_246 = arith.shrui %get3A_236, %shift_right_logical3A_245 : vector<16xi32>
    %add3A_247 = arith.addi %mul3A_243, %shift_right_logical3A_246 : vector<16xi32>
    %swap3A_248 = arith.constant 1 : i32
    %swap3A_249 = arith.index_cast %swap3A_248 : i32 to index
    %swap3A_250 = arith.constant 16 : index
    %swap3A_251 = tpu.vector_load %arg8[%swap3A_249, %swap3A_250] {strides = array<i32>} : memref<4x128xi32, #tpu.memory_space<vmem>>, vector<1x16xi32>,
    %swap3A_252 = vector.shape_cast %swap3A_251 : vector<1x16xi32> to vector<16xi32>
    %swap3A_253 = vector.shape_cast %add3A_247 : vector<16xi32> to vector<1x16xi32>
    tpu.vector_store %arg8[%swap3A_249, %swap3A_250], %swap3A_253 {strides = array<i32>} : memref<4x128xi32, #tpu.memory_space<vmem>>, vector<1x16xi32>,
    %swap3A_254 = arith.constant 1 : i32
    %swap3A_255 = arith.index_cast %swap3A_254 : i32 to index
    %swap3A_256 = arith.constant 16 : index
    %swap3A_257 = tpu.vector_load %arg9[%swap3A_255, %swap3A_256] {strides = array<i32>} : memref<4x128xi32, #tpu.memory_space<vmem>>, vector<1x16xi32>,
    %swap3A_258 = vector.shape_cast %swap3A_257 : vector<1x16xi32> to vector<16xi32>
    %swap3A_259 = vector.shape_cast %get3A_236 : vector<16xi32> to vector<1x16xi32>
    tpu.vector_store %arg9[%swap3A_255, %swap3A_256], %swap3A_259 {strides = array<i32>} : memref<4x128xi32, #tpu.memory_space<vmem>>, vector<1x16xi32>,
    %get3A_260 = arith.constant 160 : index
    %get3A_261 = tpu.vector_load %arg7[%get3A_260] {strides = array<i32>} : memref<512xi32, #tpu.memory_space<vmem>>, vector<16xi32>,
    %get3A_262 = vector.shape_cast %get3A_261 : vector<16xi32> to vector<16xi32>
    %add3A_263 = arith.constant 160 : i32
    %add3A_264 = arith.addi %mul3A_2, %add3A_263 : i32
    %add3A_265 = vector.broadcast %add3A_264 : i32 to vector<16xi32>
    %add3A_266 = arith.addi %add3A_265, %iota3A : vector<16xi32>
    %mul3A_267 = arith.constant 128 : i32
    %mul3A_268 = vector.broadcast %mul3A_267 : i32 to vector<16xi32>
    %mul3A_269 = arith.muli %add3A_266, %mul3A_268 : vector<16xi32>
    %shift_right_logical3A_270 = arith.constant 4 : i32
    %shift_right_logical3A_271 = vector.broadcast %shift_right_logical3A_270 : i32 to vector<16xi32>
    %shift_right_logical3A_272 = arith.shrui %get3A_262, %shift_right_logical3A_271 : vector<16xi32>
    %add3A_273 = arith.addi %mul3A_269, %shift_right_logical3A_272 : vector<16xi32>
    %swap3A_274 = arith.constant 1 : i32
    %swap3A_275 = arith.index_cast %swap3A_274 : i32 to index
    %swap3A_276 = arith.constant 32 : index
    %swap3A_277 = tpu.vector_load %arg8[%swap3A_275, %swap3A_276] {strides = array<i32>} : memref<4x128xi32, #tpu.memory_space<vmem>>, vector<1x16xi32>,
    %swap3A_278 = vector.shape_cast %swap3A_277 : vector<1x16xi32> to vector<16xi32>
    %swap3A_279 = vector.shape_cast %add3A_273 : vector<16xi32> to vector<1x16xi32>
    tpu.vector_store %arg8[%swap3A_275, %swap3A_276], %swap3A_279 {strides = array<i32>} : memref<4x128xi32, #tpu.memory_space<vmem>>, vector<1x16xi32>,
    %swap3A_280 = arith.constant 1 : i32
    %swap3A_281 = arith.index_cast %swap3A_280 : i32 to index
    %swap3A_282 = arith.constant 32 : index
    %swap3A_283 = tpu.vector_load %arg9[%swap3A_281, %swap3A_282] {strides = array<i32>} : memref<4x128xi32, #tpu.memory_space<vmem>>, vector<1x16xi32>,
    %swap3A_284 = vector.shape_cast %swap3A_283 : vector<1x16xi32> to vector<16xi32>
    %swap3A_285 = vector.shape_cast %get3A_262 : vector<16xi32> to vector<1x16xi32>
    tpu.vector_store %arg9[%swap3A_281, %swap3A_282], %swap3A_285 {strides = array<i32>} : memref<4x128xi32, #tpu.memory_space<vmem>>, vector<1x16xi32>,
    %get3A_286 = arith.constant 176 : index
    %get3A_287 = tpu.vector_load %arg7[%get3A_286] {strides = array<i32>} : memref<512xi32, #tpu.memory_space<vmem>>, vector<16xi32>,
    %get3A_288 = vector.shape_cast %get3A_287 : vector<16xi32> to vector<16xi32>
    %add3A_289 = arith.constant 176 : i32
    %add3A_290 = arith.addi %mul3A_2, %add3A_289 : i32
    %add3A_291 = vector.broadcast %add3A_290 : i32 to vector<16xi32>
    %add3A_292 = arith.addi %add3A_291, %iota3A : vector<16xi32>
    %mul3A_293 = arith.constant 128 : i32
    %mul3A_294 = vector.broadcast %mul3A_293 : i32 to vector<16xi32>
    %mul3A_295 = arith.muli %add3A_292, %mul3A_294 : vector<16xi32>
    %shift_right_logical3A_296 = arith.constant 4 : i32
    %shift_right_logical3A_297 = vector.broadcast %shift_right_logical3A_296 : i32 to vector<16xi32>
    %shift_right_logical3A_298 = arith.shrui %get3A_288, %shift_right_logical3A_297 : vector<16xi32>
    %add3A_299 = arith.addi %mul3A_295, %shift_right_logical3A_298 : vector<16xi32>
    %swap3A_300 = arith.constant 1 : i32
    %swap3A_301 = arith.index_cast %swap3A_300 : i32 to index
    %swap3A_302 = arith.constant 48 : index
    %swap3A_303 = tpu.vector_load %arg8[%swap3A_301, %swap3A_302] {strides = array<i32>} : memref<4x128xi32, #tpu.memory_space<vmem>>, vector<1x16xi32>,
    %swap3A_304 = vector.shape_cast %swap3A_303 : vector<1x16xi32> to vector<16xi32>
    %swap3A_305 = vector.shape_cast %add3A_299 : vector<16xi32> to vector<1x16xi32>
    tpu.vector_store %arg8[%swap3A_301, %swap3A_302], %swap3A_305 {strides = array<i32>} : memref<4x128xi32, #tpu.memory_space<vmem>>, vector<1x16xi32>,
    %swap3A_306 = arith.constant 1 : i32
    %swap3A_307 = arith.index_cast %swap3A_306 : i32 to index
    %swap3A_308 = arith.constant 48 : index
    %swap3A_309 = tpu.vector_load %arg9[%swap3A_307, %swap3A_308] {strides = array<i32>} : memref<4x128xi32, #tpu.memory_space<vmem>>, vector<1x16xi32>,
    %swap3A_310 = vector.shape_cast %swap3A_309 : vector<1x16xi32> to vector<16xi32>
    %swap3A_311 = vector.shape_cast %get3A_288 : vector<16xi32> to vector<1x16xi32>
    tpu.vector_store %arg9[%swap3A_307, %swap3A_308], %swap3A_311 {strides = array<i32>} : memref<4x128xi32, #tpu.memory_space<vmem>>, vector<1x16xi32>,
    %get3A_312 = arith.constant 192 : index
    %get3A_313 = tpu.vector_load %arg7[%get3A_312] {strides = array<i32>} : memref<512xi32, #tpu.memory_space<vmem>>, vector<16xi32>,
    %get3A_314 = vector.shape_cast %get3A_313 : vector<16xi32> to vector<16xi32>
    %add3A_315 = arith.constant 192 : i32
    %add3A_316 = arith.addi %mul3A_2, %add3A_315 : i32
    %add3A_317 = vector.broadcast %add3A_316 : i32 to vector<16xi32>
    %add3A_318 = arith.addi %add3A_317, %iota3A : vector<16xi32>
    %mul3A_319 = arith.constant 128 : i32
    %mul3A_320 = vector.broadcast %mul3A_319 : i32 to vector<16xi32>
    %mul3A_321 = arith.muli %add3A_318, %mul3A_320 : vector<16xi32>
    %shift_right_logical3A_322 = arith.constant 4 : i32
    %shift_right_logical3A_323 = vector.broadcast %shift_right_logical3A_322 : i32 to vector<16xi32>
    %shift_right_logical3A_324 = arith.shrui %get3A_314, %shift_right_logical3A_323 : vector<16xi32>
    %add3A_325 = arith.addi %mul3A_321, %shift_right_logical3A_324 : vector<16xi32>
    %swap3A_326 = arith.constant 1 : i32
    %swap3A_327 = arith.index_cast %swap3A_326 : i32 to index
    %swap3A_328 = arith.constant 64 : index
    %swap3A_329 = tpu.vector_load %arg8[%swap3A_327, %swap3A_328] {strides = array<i32>} : memref<4x128xi32, #tpu.memory_space<vmem>>, vector<1x16xi32>,
    %swap3A_330 = vector.shape_cast %swap3A_329 : vector<1x16xi32> to vector<16xi32>
    %swap3A_331 = vector.shape_cast %add3A_325 : vector<16xi32> to vector<1x16xi32>
    tpu.vector_store %arg8[%swap3A_327, %swap3A_328], %swap3A_331 {strides = array<i32>} : memref<4x128xi32, #tpu.memory_space<vmem>>, vector<1x16xi32>,
    %swap3A_332 = arith.constant 1 : i32
    %swap3A_333 = arith.index_cast %swap3A_332 : i32 to index
    %swap3A_334 = arith.constant 64 : index
    %swap3A_335 = tpu.vector_load %arg9[%swap3A_333, %swap3A_334] {strides = array<i32>} : memref<4x128xi32, #tpu.memory_space<vmem>>, vector<1x16xi32>,
    %swap3A_336 = vector.shape_cast %swap3A_335 : vector<1x16xi32> to vector<16xi32>
    %swap3A_337 = vector.shape_cast %get3A_314 : vector<16xi32> to vector<1x16xi32>
    tpu.vector_store %arg9[%swap3A_333, %swap3A_334], %swap3A_337 {strides = array<i32>} : memref<4x128xi32, #tpu.memory_space<vmem>>, vector<1x16xi32>,
    %get3A_338 = arith.constant 208 : index
    %get3A_339 = tpu.vector_load %arg7[%get3A_338] {strides = array<i32>} : memref<512xi32, #tpu.memory_space<vmem>>, vector<16xi32>,
    %get3A_340 = vector.shape_cast %get3A_339 : vector<16xi32> to vector<16xi32>
    %add3A_341 = arith.constant 208 : i32
    %add3A_342 = arith.addi %mul3A_2, %add3A_341 : i32
    %add3A_343 = vector.broadcast %add3A_342 : i32 to vector<16xi32>
    %add3A_344 = arith.addi %add3A_343, %iota3A : vector<16xi32>
    %mul3A_345 = arith.constant 128 : i32
    %mul3A_346 = vector.broadcast %mul3A_345 : i32 to vector<16xi32>
    %mul3A_347 = arith.muli %add3A_344, %mul3A_346 : vector<16xi32>
    %shift_right_logical3A_348 = arith.constant 4 : i32
    %shift_right_logical3A_349 = vector.broadcast %shift_right_logical3A_348 : i32 to vector<16xi32>
    %shift_right_logical3A_350 = arith.shrui %get3A_340, %shift_right_logical3A_349 : vector<16xi32>
    %add3A_351 = arith.addi %mul3A_347, %shift_right_logical3A_350 : vector<16xi32>
    %swap3A_352 = arith.constant 1 : i32
    %swap3A_353 = arith.index_cast %swap3A_352 : i32 to index
    %swap3A_354 = arith.constant 80 : index
    %swap3A_355 = tpu.vector_load %arg8[%swap3A_353, %swap3A_354] {strides = array<i32>} : memref<4x128xi32, #tpu.memory_space<vmem>>, vector<1x16xi32>,
    %swap3A_356 = vector.shape_cast %swap3A_355 : vector<1x16xi32> to vector<16xi32>
    %swap3A_357 = vector.shape_cast %add3A_351 : vector<16xi32> to vector<1x16xi32>
    tpu.vector_store %arg8[%swap3A_353, %swap3A_354], %swap3A_357 {strides = array<i32>} : memref<4x128xi32, #tpu.memory_space<vmem>>, vector<1x16xi32>,
    %swap3A_358 = arith.constant 1 : i32
    %swap3A_359 = arith.index_cast %swap3A_358 : i32 to index
    %swap3A_360 = arith.constant 80 : index
    %swap3A_361 = tpu.vector_load %arg9[%swap3A_359, %swap3A_360] {strides = array<i32>} : memref<4x128xi32, #tpu.memory_space<vmem>>, vector<1x16xi32>,
    %swap3A_362 = vector.shape_cast %swap3A_361 : vector<1x16xi32> to vector<16xi32>
    %swap3A_363 = vector.shape_cast %get3A_340 : vector<16xi32> to vector<1x16xi32>
    tpu.vector_store %arg9[%swap3A_359, %swap3A_360], %swap3A_363 {strides = array<i32>} : memref<4x128xi32, #tpu.memory_space<vmem>>, vector<1x16xi32>,
    %get3A_364 = arith.constant 224 : index
    %get3A_365 = tpu.vector_load %arg7[%get3A_364] {strides = array<i32>} : memref<512xi32, #tpu.memory_space<vmem>>, vector<16xi32>,
    %get3A_366 = vector.shape_cast %get3A_365 : vector<16xi32> to vector<16xi32>
    %add3A_367 = arith.constant 224 : i32
    %add3A_368 = arith.addi %mul3A_2, %add3A_367 : i32
    %add3A_369 = vector.broadcast %add3A_368 : i32 to vector<16xi32>
    %add3A_370 = arith.addi %add3A_369, %iota3A : vector<16xi32>
    %mul3A_371 = arith.constant 128 : i32
    %mul3A_372 = vector.broadcast %mul3A_371 : i32 to vector<16xi32>
    %mul3A_373 = arith.muli %add3A_370, %mul3A_372 : vector<16xi32>
    %shift_right_logical3A_374 = arith.constant 4 : i32
    %shift_right_logical3A_375 = vector.broadcast %shift_right_logical3A_374 : i32 to vector<16xi32>
    %shift_right_logical3A_376 = arith.shrui %get3A_366, %shift_right_logical3A_375 : vector<16xi32>
    %add3A_377 = arith.addi %mul3A_373, %shift_right_logical3A_376 : vector<16xi32>
    %swap3A_378 = arith.constant 1 : i32
    %swap3A_379 = arith.index_cast %swap3A_378 : i32 to index
    %swap3A_380 = arith.constant 96 : index
    %swap3A_381 = tpu.vector_load %arg8[%swap3A_379, %swap3A_380] {strides = array<i32>} : memref<4x128xi32, #tpu.memory_space<vmem>>, vector<1x16xi32>,
    %swap3A_382 = vector.shape_cast %swap3A_381 : vector<1x16xi32> to vector<16xi32>
    %swap3A_383 = vector.shape_cast %add3A_377 : vector<16xi32> to vector<1x16xi32>
    tpu.vector_store %arg8[%swap3A_379, %swap3A_380], %swap3A_383 {strides = array<i32>} : memref<4x128xi32, #tpu.memory_space<vmem>>, vector<1x16xi32>,
    %swap3A_384 = arith.constant 1 : i32
    %swap3A_385 = arith.index_cast %swap3A_384 : i32 to index
    %swap3A_386 = arith.constant 96 : index
    %swap3A_387 = tpu.vector_load %arg9[%swap3A_385, %swap3A_386] {strides = array<i32>} : memref<4x128xi32, #tpu.memory_space<vmem>>, vector<1x16xi32>,
    %swap3A_388 = vector.shape_cast %swap3A_387 : vector<1x16xi32> to vector<16xi32>
    %swap3A_389 = vector.shape_cast %get3A_366 : vector<16xi32> to vector<1x16xi32>
    tpu.vector_store %arg9[%swap3A_385, %swap3A_386], %swap3A_389 {strides = array<i32>} : memref<4x128xi32, #tpu.memory_space<vmem>>, vector<1x16xi32>,
    %get3A_390 = arith.constant 240 : index
    %get3A_391 = tpu.vector_load %arg7[%get3A_390] {strides = array<i32>} : memref<512xi32, #tpu.memory_space<vmem>>, vector<16xi32>,
    %get3A_392 = vector.shape_cast %get3A_391 : vector<16xi32> to vector<16xi32>
    %add3A_393 = arith.constant 240 : i32
    %add3A_394 = arith.addi %mul3A_2, %add3A_393 : i32
    %add3A_395 = vector.broadcast %add3A_394 : i32 to vector<16xi32>
    %add3A_396 = arith.addi %add3A_395, %iota3A : vector<16xi32>
    %mul3A_397 = arith.constant 128 : i32
    %mul3A_398 = vector.broadcast %mul3A_397 : i32 to vector<16xi32>
    %mul3A_399 = arith.muli %add3A_396, %mul3A_398 : vector<16xi32>
    %shift_right_logical3A_400 = arith.constant 4 : i32
    %shift_right_logical3A_401 = vector.broadcast %shift_right_logical3A_400 : i32 to vector<16xi32>
    %shift_right_logical3A_402 = arith.shrui %get3A_392, %shift_right_logical3A_401 : vector<16xi32>
    %add3A_403 = arith.addi %mul3A_399, %shift_right_logical3A_402 : vector<16xi32>
    %swap3A_404 = arith.constant 1 : i32
    %swap3A_405 = arith.index_cast %swap3A_404 : i32 to index
    %swap3A_406 = arith.constant 112 : index
    %swap3A_407 = tpu.vector_load %arg8[%swap3A_405, %swap3A_406] {strides = array<i32>} : memref<4x128xi32, #tpu.memory_space<vmem>>, vector<1x16xi32>,
    %swap3A_408 = vector.shape_cast %swap3A_407 : vector<1x16xi32> to vector<16xi32>
    %swap3A_409 = vector.shape_cast %add3A_403 : vector<16xi32> to vector<1x16xi32>
    tpu.vector_store %arg8[%swap3A_405, %swap3A_406], %swap3A_409 {strides = array<i32>} : memref<4x128xi32, #tpu.memory_space<vmem>>, vector<1x16xi32>,
    %swap3A_410 = arith.constant 1 : i32
    %swap3A_411 = arith.index_cast %swap3A_410 : i32 to index
    %swap3A_412 = arith.constant 112 : index
    %swap3A_413 = tpu.vector_load %arg9[%swap3A_411, %swap3A_412] {strides = array<i32>} : memref<4x128xi32, #tpu.memory_space<vmem>>, vector<1x16xi32>,
    %swap3A_414 = vector.shape_cast %swap3A_413 : vector<1x16xi32> to vector<16xi32>
    %swap3A_415 = vector.shape_cast %get3A_392 : vector<16xi32> to vector<1x16xi32>
    tpu.vector_store %arg9[%swap3A_411, %swap3A_412], %swap3A_415 {strides = array<i32>} : memref<4x128xi32, #tpu.memory_space<vmem>>, vector<1x16xi32>,
    %get3A_416 = arith.constant 256 : index
    %get3A_417 = tpu.vector_load %arg7[%get3A_416] {strides = array<i32>} : memref<512xi32, #tpu.memory_space<vmem>>, vector<16xi32>,
    %get3A_418 = vector.shape_cast %get3A_417 : vector<16xi32> to vector<16xi32>
    %add3A_419 = arith.constant 256 : i32
    %add3A_420 = arith.addi %mul3A_2, %add3A_419 : i32
    %add3A_421 = vector.broadcast %add3A_420 : i32 to vector<16xi32>
    %add3A_422 = arith.addi %add3A_421, %iota3A : vector<16xi32>
    %mul3A_423 = arith.constant 128 : i32
    %mul3A_424 = vector.broadcast %mul3A_423 : i32 to vector<16xi32>
    %mul3A_425 = arith.muli %add3A_422, %mul3A_424 : vector<16xi32>
    %shift_right_logical3A_426 = arith.constant 4 : i32
    %shift_right_logical3A_427 = vector.broadcast %shift_right_logical3A_426 : i32 to vector<16xi32>
    %shift_right_logical3A_428 = arith.shrui %get3A_418, %shift_right_logical3A_427 : vector<16xi32>
    %add3A_429 = arith.addi %mul3A_425, %shift_right_logical3A_428 : vector<16xi32>
    %swap3A_430 = arith.constant 2 : i32
    %swap3A_431 = arith.index_cast %swap3A_430 : i32 to index
    %swap3A_432 = arith.constant 0 : index
    %swap3A_433 = tpu.vector_load %arg8[%swap3A_431, %swap3A_432] {strides = array<i32>} : memref<4x128xi32, #tpu.memory_space<vmem>>, vector<1x16xi32>,
    %swap3A_434 = vector.shape_cast %swap3A_433 : vector<1x16xi32> to vector<16xi32>
    %swap3A_435 = vector.shape_cast %add3A_429 : vector<16xi32> to vector<1x16xi32>
    tpu.vector_store %arg8[%swap3A_431, %swap3A_432], %swap3A_435 {strides = array<i32>} : memref<4x128xi32, #tpu.memory_space<vmem>>, vector<1x16xi32>,
    %swap3A_436 = arith.constant 2 : i32
    %swap3A_437 = arith.index_cast %swap3A_436 : i32 to index
    %swap3A_438 = arith.constant 0 : index
    %swap3A_439 = tpu.vector_load %arg9[%swap3A_437, %swap3A_438] {strides = array<i32>} : memref<4x128xi32, #tpu.memory_space<vmem>>, vector<1x16xi32>,
    %swap3A_440 = vector.shape_cast %swap3A_439 : vector<1x16xi32> to vector<16xi32>
    %swap3A_441 = vector.shape_cast %get3A_418 : vector<16xi32> to vector<1x16xi32>
    tpu.vector_store %arg9[%swap3A_437, %swap3A_438], %swap3A_441 {strides = array<i32>} : memref<4x128xi32, #tpu.memory_space<vmem>>, vector<1x16xi32>,
    %get3A_442 = arith.constant 272 : index
    %get3A_443 = tpu.vector_load %arg7[%get3A_442] {strides = array<i32>} : memref<512xi32, #tpu.memory_space<vmem>>, vector<16xi32>,
    %get3A_444 = vector.shape_cast %get3A_443 : vector<16xi32> to vector<16xi32>
    %add3A_445 = arith.constant 272 : i32
    %add3A_446 = arith.addi %mul3A_2, %add3A_445 : i32
    %add3A_447 = vector.broadcast %add3A_446 : i32 to vector<16xi32>
    %add3A_448 = arith.addi %add3A_447, %iota3A : vector<16xi32>
    %mul3A_449 = arith.constant 128 : i32
    %mul3A_450 = vector.broadcast %mul3A_449 : i32 to vector<16xi32>
    %mul3A_451 = arith.muli %add3A_448, %mul3A_450 : vector<16xi32>
    %shift_right_logical3A_452 = arith.constant 4 : i32
    %shift_right_logical3A_453 = vector.broadcast %shift_right_logical3A_452 : i32 to vector<16xi32>
    %shift_right_logical3A_454 = arith.shrui %get3A_444, %shift_right_logical3A_453 : vector<16xi32>
    %add3A_455 = arith.addi %mul3A_451, %shift_right_logical3A_454 : vector<16xi32>
    %swap3A_456 = arith.constant 2 : i32
    %swap3A_457 = arith.index_cast %swap3A_456 : i32 to index
    %swap3A_458 = arith.constant 16 : index
    %swap3A_459 = tpu.vector_load %arg8[%swap3A_457, %swap3A_458] {strides = array<i32>} : memref<4x128xi32, #tpu.memory_space<vmem>>, vector<1x16xi32>,
    %swap3A_460 = vector.shape_cast %swap3A_459 : vector<1x16xi32> to vector<16xi32>
    %swap3A_461 = vector.shape_cast %add3A_455 : vector<16xi32> to vector<1x16xi32>
    tpu.vector_store %arg8[%swap3A_457, %swap3A_458], %swap3A_461 {strides = array<i32>} : memref<4x128xi32, #tpu.memory_space<vmem>>, vector<1x16xi32>,
    %swap3A_462 = arith.constant 2 : i32
    %swap3A_463 = arith.index_cast %swap3A_462 : i32 to index
    %swap3A_464 = arith.constant 16 : index
    %swap3A_465 = tpu.vector_load %arg9[%swap3A_463, %swap3A_464] {strides = array<i32>} : memref<4x128xi32, #tpu.memory_space<vmem>>, vector<1x16xi32>,
    %swap3A_466 = vector.shape_cast %swap3A_465 : vector<1x16xi32> to vector<16xi32>
    %swap3A_467 = vector.shape_cast %get3A_444 : vector<16xi32> to vector<1x16xi32>
    tpu.vector_store %arg9[%swap3A_463, %swap3A_464], %swap3A_467 {strides = array<i32>} : memref<4x128xi32, #tpu.memory_space<vmem>>, vector<1x16xi32>,
    %get3A_468 = arith.constant 288 : index
    %get3A_469 = tpu.vector_load %arg7[%get3A_468] {strides = array<i32>} : memref<512xi32, #tpu.memory_space<vmem>>, vector<16xi32>,
    %get3A_470 = vector.shape_cast %get3A_469 : vector<16xi32> to vector<16xi32>
    %add3A_471 = arith.constant 288 : i32
    %add3A_472 = arith.addi %mul3A_2, %add3A_471 : i32
    %add3A_473 = vector.broadcast %add3A_472 : i32 to vector<16xi32>
    %add3A_474 = arith.addi %add3A_473, %iota3A : vector<16xi32>
    %mul3A_475 = arith.constant 128 : i32
    %mul3A_476 = vector.broadcast %mul3A_475 : i32 to vector<16xi32>
    %mul3A_477 = arith.muli %add3A_474, %mul3A_476 : vector<16xi32>
    %shift_right_logical3A_478 = arith.constant 4 : i32
    %shift_right_logical3A_479 = vector.broadcast %shift_right_logical3A_478 : i32 to vector<16xi32>
    %shift_right_logical3A_480 = arith.shrui %get3A_470, %shift_right_logical3A_479 : vector<16xi32>
    %add3A_481 = arith.addi %mul3A_477, %shift_right_logical3A_480 : vector<16xi32>
    %swap3A_482 = arith.constant 2 : i32
    %swap3A_483 = arith.index_cast %swap3A_482 : i32 to index
    %swap3A_484 = arith.constant 32 : index
    %swap3A_485 = tpu.vector_load %arg8[%swap3A_483, %swap3A_484] {strides = array<i32>} : memref<4x128xi32, #tpu.memory_space<vmem>>, vector<1x16xi32>,
    %swap3A_486 = vector.shape_cast %swap3A_485 : vector<1x16xi32> to vector<16xi32>
    %swap3A_487 = vector.shape_cast %add3A_481 : vector<16xi32> to vector<1x16xi32>
    tpu.vector_store %arg8[%swap3A_483, %swap3A_484], %swap3A_487 {strides = array<i32>} : memref<4x128xi32, #tpu.memory_space<vmem>>, vector<1x16xi32>,
    %swap3A_488 = arith.constant 2 : i32
    %swap3A_489 = arith.index_cast %swap3A_488 : i32 to index
    %swap3A_490 = arith.constant 32 : index
    %swap3A_491 = tpu.vector_load %arg9[%swap3A_489, %swap3A_490] {strides = array<i32>} : memref<4x128xi32, #tpu.memory_space<vmem>>, vector<1x16xi32>,
    %swap3A_492 = vector.shape_cast %swap3A_491 : vector<1x16xi32> to vector<16xi32>
    %swap3A_493 = vector.shape_cast %get3A_470 : vector<16xi32> to vector<1x16xi32>
    tpu.vector_store %arg9[%swap3A_489, %swap3A_490], %swap3A_493 {strides = array<i32>} : memref<4x128xi32, #tpu.memory_space<vmem>>, vector<1x16xi32>,
    %get3A_494 = arith.constant 304 : index
    %get3A_495 = tpu.vector_load %arg7[%get3A_494] {strides = array<i32>} : memref<512xi32, #tpu.memory_space<vmem>>, vector<16xi32>,
    %get3A_496 = vector.shape_cast %get3A_495 : vector<16xi32> to vector<16xi32>
    %add3A_497 = arith.constant 304 : i32
    %add3A_498 = arith.addi %mul3A_2, %add3A_497 : i32
    %add3A_499 = vector.broadcast %add3A_498 : i32 to vector<16xi32>
    %add3A_500 = arith.addi %add3A_499, %iota3A : vector<16xi32>
    %mul3A_501 = arith.constant 128 : i32
    %mul3A_502 = vector.broadcast %mul3A_501 : i32 to vector<16xi32>
    %mul3A_503 = arith.muli %add3A_500, %mul3A_502 : vector<16xi32>
    %shift_right_logical3A_504 = arith.constant 4 : i32
    %shift_right_logical3A_505 = vector.broadcast %shift_right_logical3A_504 : i32 to vector<16xi32>
    %shift_right_logical3A_506 = arith.shrui %get3A_496, %shift_right_logical3A_505 : vector<16xi32>
    %add3A_507 = arith.addi %mul3A_503, %shift_right_logical3A_506 : vector<16xi32>
    %swap3A_508 = arith.constant 2 : i32
    %swap3A_509 = arith.index_cast %swap3A_508 : i32 to index
    %swap3A_510 = arith.constant 48 : index
    %swap3A_511 = tpu.vector_load %arg8[%swap3A_509, %swap3A_510] {strides = array<i32>} : memref<4x128xi32, #tpu.memory_space<vmem>>, vector<1x16xi32>,
    %swap3A_512 = vector.shape_cast %swap3A_511 : vector<1x16xi32> to vector<16xi32>
    %swap3A_513 = vector.shape_cast %add3A_507 : vector<16xi32> to vector<1x16xi32>
    tpu.vector_store %arg8[%swap3A_509, %swap3A_510], %swap3A_513 {strides = array<i32>} : memref<4x128xi32, #tpu.memory_space<vmem>>, vector<1x16xi32>,
    %swap3A_514 = arith.constant 2 : i32
    %swap3A_515 = arith.index_cast %swap3A_514 : i32 to index
    %swap3A_516 = arith.constant 48 : index
    %swap3A_517 = tpu.vector_load %arg9[%swap3A_515, %swap3A_516] {strides = array<i32>} : memref<4x128xi32, #tpu.memory_space<vmem>>, vector<1x16xi32>,
    %swap3A_518 = vector.shape_cast %swap3A_517 : vector<1x16xi32> to vector<16xi32>
    %swap3A_519 = vector.shape_cast %get3A_496 : vector<16xi32> to vector<1x16xi32>
    tpu.vector_store %arg9[%swap3A_515, %swap3A_516], %swap3A_519 {strides = array<i32>} : memref<4x128xi32, #tpu.memory_space<vmem>>, vector<1x16xi32>,
    %get3A_520 = arith.constant 320 : index
    %get3A_521 = tpu.vector_load %arg7[%get3A_520] {strides = array<i32>} : memref<512xi32, #tpu.memory_space<vmem>>, vector<16xi32>,
    %get3A_522 = vector.shape_cast %get3A_521 : vector<16xi32> to vector<16xi32>
    %add3A_523 = arith.constant 320 : i32
    %add3A_524 = arith.addi %mul3A_2, %add3A_523 : i32
    %add3A_525 = vector.broadcast %add3A_524 : i32 to vector<16xi32>
    %add3A_526 = arith.addi %add3A_525, %iota3A : vector<16xi32>
    %mul3A_527 = arith.constant 128 : i32
    %mul3A_528 = vector.broadcast %mul3A_527 : i32 to vector<16xi32>
    %mul3A_529 = arith.muli %add3A_526, %mul3A_528 : vector<16xi32>
    %shift_right_logical3A_530 = arith.constant 4 : i32
    %shift_right_logical3A_531 = vector.broadcast %shift_right_logical3A_530 : i32 to vector<16xi32>
    %shift_right_logical3A_532 = arith.shrui %get3A_522, %shift_right_logical3A_531 : vector<16xi32>
    %add3A_533 = arith.addi %mul3A_529, %shift_right_logical3A_532 : vector<16xi32>
    %swap3A_534 = arith.constant 2 : i32
    %swap3A_535 = arith.index_cast %swap3A_534 : i32 to index
    %swap3A_536 = arith.constant 64 : index
    %swap3A_537 = tpu.vector_load %arg8[%swap3A_535, %swap3A_536] {strides = array<i32>} : memref<4x128xi32, #tpu.memory_space<vmem>>, vector<1x16xi32>,
    %swap3A_538 = vector.shape_cast %swap3A_537 : vector<1x16xi32> to vector<16xi32>
    %swap3A_539 = vector.shape_cast %add3A_533 : vector<16xi32> to vector<1x16xi32>
    tpu.vector_store %arg8[%swap3A_535, %swap3A_536], %swap3A_539 {strides = array<i32>} : memref<4x128xi32, #tpu.memory_space<vmem>>, vector<1x16xi32>,
    %swap3A_540 = arith.constant 2 : i32
    %swap3A_541 = arith.index_cast %swap3A_540 : i32 to index
    %swap3A_542 = arith.constant 64 : index
    %swap3A_543 = tpu.vector_load %arg9[%swap3A_541, %swap3A_542] {strides = array<i32>} : memref<4x128xi32, #tpu.memory_space<vmem>>, vector<1x16xi32>,
    %swap3A_544 = vector.shape_cast %swap3A_543 : vector<1x16xi32> to vector<16xi32>
    %swap3A_545 = vector.shape_cast %get3A_522 : vector<16xi32> to vector<1x16xi32>
    tpu.vector_store %arg9[%swap3A_541, %swap3A_542], %swap3A_545 {strides = array<i32>} : memref<4x128xi32, #tpu.memory_space<vmem>>, vector<1x16xi32>,
    %get3A_546 = arith.constant 336 : index
    %get3A_547 = tpu.vector_load %arg7[%get3A_546] {strides = array<i32>} : memref<512xi32, #tpu.memory_space<vmem>>, vector<16xi32>,
    %get3A_548 = vector.shape_cast %get3A_547 : vector<16xi32> to vector<16xi32>
    %add3A_549 = arith.constant 336 : i32
    %add3A_550 = arith.addi %mul3A_2, %add3A_549 : i32
    %add3A_551 = vector.broadcast %add3A_550 : i32 to vector<16xi32>
    %add3A_552 = arith.addi %add3A_551, %iota3A : vector<16xi32>
    %mul3A_553 = arith.constant 128 : i32
    %mul3A_554 = vector.broadcast %mul3A_553 : i32 to vector<16xi32>
    %mul3A_555 = arith.muli %add3A_552, %mul3A_554 : vector<16xi32>
    %shift_right_logical3A_556 = arith.constant 4 : i32
    %shift_right_logical3A_557 = vector.broadcast %shift_right_logical3A_556 : i32 to vector<16xi32>
    %shift_right_logical3A_558 = arith.shrui %get3A_548, %shift_right_logical3A_557 : vector<16xi32>
    %add3A_559 = arith.addi %mul3A_555, %shift_right_logical3A_558 : vector<16xi32>
    %swap3A_560 = arith.constant 2 : i32
    %swap3A_561 = arith.index_cast %swap3A_560 : i32 to index
    %swap3A_562 = arith.constant 80 : index
    %swap3A_563 = tpu.vector_load %arg8[%swap3A_561, %swap3A_562] {strides = array<i32>} : memref<4x128xi32, #tpu.memory_space<vmem>>, vector<1x16xi32>,
    %swap3A_564 = vector.shape_cast %swap3A_563 : vector<1x16xi32> to vector<16xi32>
    %swap3A_565 = vector.shape_cast %add3A_559 : vector<16xi32> to vector<1x16xi32>
    tpu.vector_store %arg8[%swap3A_561, %swap3A_562], %swap3A_565 {strides = array<i32>} : memref<4x128xi32, #tpu.memory_space<vmem>>, vector<1x16xi32>,
    %swap3A_566 = arith.constant 2 : i32
    %swap3A_567 = arith.index_cast %swap3A_566 : i32 to index
    %swap3A_568 = arith.constant 80 : index
    %swap3A_569 = tpu.vector_load %arg9[%swap3A_567, %swap3A_568] {strides = array<i32>} : memref<4x128xi32, #tpu.memory_space<vmem>>, vector<1x16xi32>,
    %swap3A_570 = vector.shape_cast %swap3A_569 : vector<1x16xi32> to vector<16xi32>
    %swap3A_571 = vector.shape_cast %get3A_548 : vector<16xi32> to vector<1x16xi32>
    tpu.vector_store %arg9[%swap3A_567, %swap3A_568], %swap3A_571 {strides = array<i32>} : memref<4x128xi32, #tpu.memory_space<vmem>>, vector<1x16xi32>,
    %get3A_572 = arith.constant 352 : index
    %get3A_573 = tpu.vector_load %arg7[%get3A_572] {strides = array<i32>} : memref<512xi32, #tpu.memory_space<vmem>>, vector<16xi32>,
    %get3A_574 = vector.shape_cast %get3A_573 : vector<16xi32> to vector<16xi32>
    %add3A_575 = arith.constant 352 : i32
    %add3A_576 = arith.addi %mul3A_2, %add3A_575 : i32
    %add3A_577 = vector.broadcast %add3A_576 : i32 to vector<16xi32>
    %add3A_578 = arith.addi %add3A_577, %iota3A : vector<16xi32>
    %mul3A_579 = arith.constant 128 : i32
    %mul3A_580 = vector.broadcast %mul3A_579 : i32 to vector<16xi32>
    %mul3A_581 = arith.muli %add3A_578, %mul3A_580 : vector<16xi32>
    %shift_right_logical3A_582 = arith.constant 4 : i32
    %shift_right_logical3A_583 = vector.broadcast %shift_right_logical3A_582 : i32 to vector<16xi32>
    %shift_right_logical3A_584 = arith.shrui %get3A_574, %shift_right_logical3A_583 : vector<16xi32>
    %add3A_585 = arith.addi %mul3A_581, %shift_right_logical3A_584 : vector<16xi32>
    %swap3A_586 = arith.constant 2 : i32
    %swap3A_587 = arith.index_cast %swap3A_586 : i32 to index
    %swap3A_588 = arith.constant 96 : index
    %swap3A_589 = tpu.vector_load %arg8[%swap3A_587, %swap3A_588] {strides = array<i32>} : memref<4x128xi32, #tpu.memory_space<vmem>>, vector<1x16xi32>,
    %swap3A_590 = vector.shape_cast %swap3A_589 : vector<1x16xi32> to vector<16xi32>
    %swap3A_591 = vector.shape_cast %add3A_585 : vector<16xi32> to vector<1x16xi32>
    tpu.vector_store %arg8[%swap3A_587, %swap3A_588], %swap3A_591 {strides = array<i32>} : memref<4x128xi32, #tpu.memory_space<vmem>>, vector<1x16xi32>,
    %swap3A_592 = arith.constant 2 : i32
    %swap3A_593 = arith.index_cast %swap3A_592 : i32 to index
    %swap3A_594 = arith.constant 96 : index
    %swap3A_595 = tpu.vector_load %arg9[%swap3A_593, %swap3A_594] {strides = array<i32>} : memref<4x128xi32, #tpu.memory_space<vmem>>, vector<1x16xi32>,
    %swap3A_596 = vector.shape_cast %swap3A_595 : vector<1x16xi32> to vector<16xi32>
    %swap3A_597 = vector.shape_cast %get3A_574 : vector<16xi32> to vector<1x16xi32>
    tpu.vector_store %arg9[%swap3A_593, %swap3A_594], %swap3A_597 {strides = array<i32>} : memref<4x128xi32, #tpu.memory_space<vmem>>, vector<1x16xi32>,
    %get3A_598 = arith.constant 368 : index
    %get3A_599 = tpu.vector_load %arg7[%get3A_598] {strides = array<i32>} : memref<512xi32, #tpu.memory_space<vmem>>, vector<16xi32>,
    %get3A_600 = vector.shape_cast %get3A_599 : vector<16xi32> to vector<16xi32>
    %add3A_601 = arith.constant 368 : i32
    %add3A_602 = arith.addi %mul3A_2, %add3A_601 : i32
    %add3A_603 = vector.broadcast %add3A_602 : i32 to vector<16xi32>
    %add3A_604 = arith.addi %add3A_603, %iota3A : vector<16xi32>
    %mul3A_605 = arith.constant 128 : i32
    %mul3A_606 = vector.broadcast %mul3A_605 : i32 to vector<16xi32>
    %mul3A_607 = arith.muli %add3A_604, %mul3A_606 : vector<16xi32>
    %shift_right_logical3A_608 = arith.constant 4 : i32
    %shift_right_logical3A_609 = vector.broadcast %shift_right_logical3A_608 : i32 to vector<16xi32>
    %shift_right_logical3A_610 = arith.shrui %get3A_600, %shift_right_logical3A_609 : vector<16xi32>
    %add3A_611 = arith.addi %mul3A_607, %shift_right_logical3A_610 : vector<16xi32>
    %swap3A_612 = arith.constant 2 : i32
    %swap3A_613 = arith.index_cast %swap3A_612 : i32 to index
    %swap3A_614 = arith.constant 112 : index
    %swap3A_615 = tpu.vector_load %arg8[%swap3A_613, %swap3A_614] {strides = array<i32>} : memref<4x128xi32, #tpu.memory_space<vmem>>, vector<1x16xi32>,
    %swap3A_616 = vector.shape_cast %swap3A_615 : vector<1x16xi32> to vector<16xi32>
    %swap3A_617 = vector.shape_cast %add3A_611 : vector<16xi32> to vector<1x16xi32>
    tpu.vector_store %arg8[%swap3A_613, %swap3A_614], %swap3A_617 {strides = array<i32>} : memref<4x128xi32, #tpu.memory_space<vmem>>, vector<1x16xi32>,
    %swap3A_618 = arith.constant 2 : i32
    %swap3A_619 = arith.index_cast %swap3A_618 : i32 to index
    %swap3A_620 = arith.constant 112 : index
    %swap3A_621 = tpu.vector_load %arg9[%swap3A_619, %swap3A_620] {strides = array<i32>} : memref<4x128xi32, #tpu.memory_space<vmem>>, vector<1x16xi32>,
    %swap3A_622 = vector.shape_cast %swap3A_621 : vector<1x16xi32> to vector<16xi32>
    %swap3A_623 = vector.shape_cast %get3A_600 : vector<16xi32> to vector<1x16xi32>
    tpu.vector_store %arg9[%swap3A_619, %swap3A_620], %swap3A_623 {strides = array<i32>} : memref<4x128xi32, #tpu.memory_space<vmem>>, vector<1x16xi32>,
    %get3A_624 = arith.constant 384 : index
    %get3A_625 = tpu.vector_load %arg7[%get3A_624] {strides = array<i32>} : memref<512xi32, #tpu.memory_space<vmem>>, vector<16xi32>,
    %get3A_626 = vector.shape_cast %get3A_625 : vector<16xi32> to vector<16xi32>
    %add3A_627 = arith.constant 384 : i32
    %add3A_628 = arith.addi %mul3A_2, %add3A_627 : i32
    %add3A_629 = vector.broadcast %add3A_628 : i32 to vector<16xi32>
    %add3A_630 = arith.addi %add3A_629, %iota3A : vector<16xi32>
    %mul3A_631 = arith.constant 128 : i32
    %mul3A_632 = vector.broadcast %mul3A_631 : i32 to vector<16xi32>
    %mul3A_633 = arith.muli %add3A_630, %mul3A_632 : vector<16xi32>
    %shift_right_logical3A_634 = arith.constant 4 : i32
    %shift_right_logical3A_635 = vector.broadcast %shift_right_logical3A_634 : i32 to vector<16xi32>
    %shift_right_logical3A_636 = arith.shrui %get3A_626, %shift_right_logical3A_635 : vector<16xi32>
    %add3A_637 = arith.addi %mul3A_633, %shift_right_logical3A_636 : vector<16xi32>
    %swap3A_638 = arith.constant 3 : i32
    %swap3A_639 = arith.index_cast %swap3A_638 : i32 to index
    %swap3A_640 = arith.constant 0 : index
    %swap3A_641 = tpu.vector_load %arg8[%swap3A_639, %swap3A_640] {strides = array<i32>} : memref<4x128xi32, #tpu.memory_space<vmem>>, vector<1x16xi32>,
    %swap3A_642 = vector.shape_cast %swap3A_641 : vector<1x16xi32> to vector<16xi32>
    %swap3A_643 = vector.shape_cast %add3A_637 : vector<16xi32> to vector<1x16xi32>
    tpu.vector_store %arg8[%swap3A_639, %swap3A_640], %swap3A_643 {strides = array<i32>} : memref<4x128xi32, #tpu.memory_space<vmem>>, vector<1x16xi32>,
    %swap3A_644 = arith.constant 3 : i32
    %swap3A_645 = arith.index_cast %swap3A_644 : i32 to index
    %swap3A_646 = arith.constant 0 : index
    %swap3A_647 = tpu.vector_load %arg9[%swap3A_645, %swap3A_646] {strides = array<i32>} : memref<4x128xi32, #tpu.memory_space<vmem>>, vector<1x16xi32>,
    %swap3A_648 = vector.shape_cast %swap3A_647 : vector<1x16xi32> to vector<16xi32>
    %swap3A_649 = vector.shape_cast %get3A_626 : vector<16xi32> to vector<1x16xi32>
    tpu.vector_store %arg9[%swap3A_645, %swap3A_646], %swap3A_649 {strides = array<i32>} : memref<4x128xi32, #tpu.memory_space<vmem>>, vector<1x16xi32>,
    %get3A_650 = arith.constant 400 : index
    %get3A_651 = tpu.vector_load %arg7[%get3A_650] {strides = array<i32>} : memref<512xi32, #tpu.memory_space<vmem>>, vector<16xi32>,
    %get3A_652 = vector.shape_cast %get3A_651 : vector<16xi32> to vector<16xi32>
    %add3A_653 = arith.constant 400 : i32
    %add3A_654 = arith.addi %mul3A_2, %add3A_653 : i32
    %add3A_655 = vector.broadcast %add3A_654 : i32 to vector<16xi32>
    %add3A_656 = arith.addi %add3A_655, %iota3A : vector<16xi32>
    %mul3A_657 = arith.constant 128 : i32
    %mul3A_658 = vector.broadcast %mul3A_657 : i32 to vector<16xi32>
    %mul3A_659 = arith.muli %add3A_656, %mul3A_658 : vector<16xi32>
    %shift_right_logical3A_660 = arith.constant 4 : i32
    %shift_right_logical3A_661 = vector.broadcast %shift_right_logical3A_660 : i32 to vector<16xi32>
    %shift_right_logical3A_662 = arith.shrui %get3A_652, %shift_right_logical3A_661 : vector<16xi32>
    %add3A_663 = arith.addi %mul3A_659, %shift_right_logical3A_662 : vector<16xi32>
    %swap3A_664 = arith.constant 3 : i32
    %swap3A_665 = arith.index_cast %swap3A_664 : i32 to index
    %swap3A_666 = arith.constant 16 : index
    %swap3A_667 = tpu.vector_load %arg8[%swap3A_665, %swap3A_666] {strides = array<i32>} : memref<4x128xi32, #tpu.memory_space<vmem>>, vector<1x16xi32>,
    %swap3A_668 = vector.shape_cast %swap3A_667 : vector<1x16xi32> to vector<16xi32>
    %swap3A_669 = vector.shape_cast %add3A_663 : vector<16xi32> to vector<1x16xi32>
    tpu.vector_store %arg8[%swap3A_665, %swap3A_666], %swap3A_669 {strides = array<i32>} : memref<4x128xi32, #tpu.memory_space<vmem>>, vector<1x16xi32>,
    %swap3A_670 = arith.constant 3 : i32
    %swap3A_671 = arith.index_cast %swap3A_670 : i32 to index
    %swap3A_672 = arith.constant 16 : index
    %swap3A_673 = tpu.vector_load %arg9[%swap3A_671, %swap3A_672] {strides = array<i32>} : memref<4x128xi32, #tpu.memory_space<vmem>>, vector<1x16xi32>,
    %swap3A_674 = vector.shape_cast %swap3A_673 : vector<1x16xi32> to vector<16xi32>
    %swap3A_675 = vector.shape_cast %get3A_652 : vector<16xi32> to vector<1x16xi32>
    tpu.vector_store %arg9[%swap3A_671, %swap3A_672], %swap3A_675 {strides = array<i32>} : memref<4x128xi32, #tpu.memory_space<vmem>>, vector<1x16xi32>,
    %get3A_676 = arith.constant 416 : index
    %get3A_677 = tpu.vector_load %arg7[%get3A_676] {strides = array<i32>} : memref<512xi32, #tpu.memory_space<vmem>>, vector<16xi32>,
    %get3A_678 = vector.shape_cast %get3A_677 : vector<16xi32> to vector<16xi32>
    %add3A_679 = arith.constant 416 : i32
    %add3A_680 = arith.addi %mul3A_2, %add3A_679 : i32
    %add3A_681 = vector.broadcast %add3A_680 : i32 to vector<16xi32>
    %add3A_682 = arith.addi %add3A_681, %iota3A : vector<16xi32>
    %mul3A_683 = arith.constant 128 : i32
    %mul3A_684 = vector.broadcast %mul3A_683 : i32 to vector<16xi32>
    %mul3A_685 = arith.muli %add3A_682, %mul3A_684 : vector<16xi32>
    %shift_right_logical3A_686 = arith.constant 4 : i32
    %shift_right_logical3A_687 = vector.broadcast %shift_right_logical3A_686 : i32 to vector<16xi32>
    %shift_right_logical3A_688 = arith.shrui %get3A_678, %shift_right_logical3A_687 : vector<16xi32>
    %add3A_689 = arith.addi %mul3A_685, %shift_right_logical3A_688 : vector<16xi32>
    %swap3A_690 = arith.constant 3 : i32
    %swap3A_691 = arith.index_cast %swap3A_690 : i32 to index
    %swap3A_692 = arith.constant 32 : index
    %swap3A_693 = tpu.vector_load %arg8[%swap3A_691, %swap3A_692] {strides = array<i32>} : memref<4x128xi32, #tpu.memory_space<vmem>>, vector<1x16xi32>,
    %swap3A_694 = vector.shape_cast %swap3A_693 : vector<1x16xi32> to vector<16xi32>
    %swap3A_695 = vector.shape_cast %add3A_689 : vector<16xi32> to vector<1x16xi32>
    tpu.vector_store %arg8[%swap3A_691, %swap3A_692], %swap3A_695 {strides = array<i32>} : memref<4x128xi32, #tpu.memory_space<vmem>>, vector<1x16xi32>,
    %swap3A_696 = arith.constant 3 : i32
    %swap3A_697 = arith.index_cast %swap3A_696 : i32 to index
    %swap3A_698 = arith.constant 32 : index
    %swap3A_699 = tpu.vector_load %arg9[%swap3A_697, %swap3A_698] {strides = array<i32>} : memref<4x128xi32, #tpu.memory_space<vmem>>, vector<1x16xi32>,
    %swap3A_700 = vector.shape_cast %swap3A_699 : vector<1x16xi32> to vector<16xi32>
    %swap3A_701 = vector.shape_cast %get3A_678 : vector<16xi32> to vector<1x16xi32>
    tpu.vector_store %arg9[%swap3A_697, %swap3A_698], %swap3A_701 {strides = array<i32>} : memref<4x128xi32, #tpu.memory_space<vmem>>, vector<1x16xi32>,
    %get3A_702 = arith.constant 432 : index
    %get3A_703 = tpu.vector_load %arg7[%get3A_702] {strides = array<i32>} : memref<512xi32, #tpu.memory_space<vmem>>, vector<16xi32>,
    %get3A_704 = vector.shape_cast %get3A_703 : vector<16xi32> to vector<16xi32>
    %add3A_705 = arith.constant 432 : i32
    %add3A_706 = arith.addi %mul3A_2, %add3A_705 : i32
    %add3A_707 = vector.broadcast %add3A_706 : i32 to vector<16xi32>
    %add3A_708 = arith.addi %add3A_707, %iota3A : vector<16xi32>
    %mul3A_709 = arith.constant 128 : i32
    %mul3A_710 = vector.broadcast %mul3A_709 : i32 to vector<16xi32>
    %mul3A_711 = arith.muli %add3A_708, %mul3A_710 : vector<16xi32>
    %shift_right_logical3A_712 = arith.constant 4 : i32
    %shift_right_logical3A_713 = vector.broadcast %shift_right_logical3A_712 : i32 to vector<16xi32>
    %shift_right_logical3A_714 = arith.shrui %get3A_704, %shift_right_logical3A_713 : vector<16xi32>
    %add3A_715 = arith.addi %mul3A_711, %shift_right_logical3A_714 : vector<16xi32>
    %swap3A_716 = arith.constant 3 : i32
    %swap3A_717 = arith.index_cast %swap3A_716 : i32 to index
    %swap3A_718 = arith.constant 48 : index
    %swap3A_719 = tpu.vector_load %arg8[%swap3A_717, %swap3A_718] {strides = array<i32>} : memref<4x128xi32, #tpu.memory_space<vmem>>, vector<1x16xi32>,
    %swap3A_720 = vector.shape_cast %swap3A_719 : vector<1x16xi32> to vector<16xi32>
    %swap3A_721 = vector.shape_cast %add3A_715 : vector<16xi32> to vector<1x16xi32>
    tpu.vector_store %arg8[%swap3A_717, %swap3A_718], %swap3A_721 {strides = array<i32>} : memref<4x128xi32, #tpu.memory_space<vmem>>, vector<1x16xi32>,
    %swap3A_722 = arith.constant 3 : i32
    %swap3A_723 = arith.index_cast %swap3A_722 : i32 to index
    %swap3A_724 = arith.constant 48 : index
    %swap3A_725 = tpu.vector_load %arg9[%swap3A_723, %swap3A_724] {strides = array<i32>} : memref<4x128xi32, #tpu.memory_space<vmem>>, vector<1x16xi32>,
    %swap3A_726 = vector.shape_cast %swap3A_725 : vector<1x16xi32> to vector<16xi32>
    %swap3A_727 = vector.shape_cast %get3A_704 : vector<16xi32> to vector<1x16xi32>
    tpu.vector_store %arg9[%swap3A_723, %swap3A_724], %swap3A_727 {strides = array<i32>} : memref<4x128xi32, #tpu.memory_space<vmem>>, vector<1x16xi32>,
    %get3A_728 = arith.constant 448 : index
    %get3A_729 = tpu.vector_load %arg7[%get3A_728] {strides = array<i32>} : memref<512xi32, #tpu.memory_space<vmem>>, vector<16xi32>,
    %get3A_730 = vector.shape_cast %get3A_729 : vector<16xi32> to vector<16xi32>
    %add3A_731 = arith.constant 448 : i32
    %add3A_732 = arith.addi %mul3A_2, %add3A_731 : i32
    %add3A_733 = vector.broadcast %add3A_732 : i32 to vector<16xi32>
    %add3A_734 = arith.addi %add3A_733, %iota3A : vector<16xi32>
    %mul3A_735 = arith.constant 128 : i32
    %mul3A_736 = vector.broadcast %mul3A_735 : i32 to vector<16xi32>
    %mul3A_737 = arith.muli %add3A_734, %mul3A_736 : vector<16xi32>
    %shift_right_logical3A_738 = arith.constant 4 : i32
    %shift_right_logical3A_739 = vector.broadcast %shift_right_logical3A_738 : i32 to vector<16xi32>
    %shift_right_logical3A_740 = arith.shrui %get3A_730, %shift_right_logical3A_739 : vector<16xi32>
    %add3A_741 = arith.addi %mul3A_737, %shift_right_logical3A_740 : vector<16xi32>
    %swap3A_742 = arith.constant 3 : i32
    %swap3A_743 = arith.index_cast %swap3A_742 : i32 to index
    %swap3A_744 = arith.constant 64 : index
    %swap3A_745 = tpu.vector_load %arg8[%swap3A_743, %swap3A_744] {strides = array<i32>} : memref<4x128xi32, #tpu.memory_space<vmem>>, vector<1x16xi32>,
    %swap3A_746 = vector.shape_cast %swap3A_745 : vector<1x16xi32> to vector<16xi32>
    %swap3A_747 = vector.shape_cast %add3A_741 : vector<16xi32> to vector<1x16xi32>
    tpu.vector_store %arg8[%swap3A_743, %swap3A_744], %swap3A_747 {strides = array<i32>} : memref<4x128xi32, #tpu.memory_space<vmem>>, vector<1x16xi32>,
    %swap3A_748 = arith.constant 3 : i32
    %swap3A_749 = arith.index_cast %swap3A_748 : i32 to index
    %swap3A_750 = arith.constant 64 : index
    %swap3A_751 = tpu.vector_load %arg9[%swap3A_749, %swap3A_750] {strides = array<i32>} : memref<4x128xi32, #tpu.memory_space<vmem>>, vector<1x16xi32>,
    %swap3A_752 = vector.shape_cast %swap3A_751 : vector<1x16xi32> to vector<16xi32>
    %swap3A_753 = vector.shape_cast %get3A_730 : vector<16xi32> to vector<1x16xi32>
    tpu.vector_store %arg9[%swap3A_749, %swap3A_750], %swap3A_753 {strides = array<i32>} : memref<4x128xi32, #tpu.memory_space<vmem>>, vector<1x16xi32>,
    %get3A_754 = arith.constant 464 : index
    %get3A_755 = tpu.vector_load %arg7[%get3A_754] {strides = array<i32>} : memref<512xi32, #tpu.memory_space<vmem>>, vector<16xi32>,
    %get3A_756 = vector.shape_cast %get3A_755 : vector<16xi32> to vector<16xi32>
    %add3A_757 = arith.constant 464 : i32
    %add3A_758 = arith.addi %mul3A_2, %add3A_757 : i32
    %add3A_759 = vector.broadcast %add3A_758 : i32 to vector<16xi32>
    %add3A_760 = arith.addi %add3A_759, %iota3A : vector<16xi32>
    %mul3A_761 = arith.constant 128 : i32
    %mul3A_762 = vector.broadcast %mul3A_761 : i32 to vector<16xi32>
    %mul3A_763 = arith.muli %add3A_760, %mul3A_762 : vector<16xi32>
    %shift_right_logical3A_764 = arith.constant 4 : i32
    %shift_right_logical3A_765 = vector.broadcast %shift_right_logical3A_764 : i32 to vector<16xi32>
    %shift_right_logical3A_766 = arith.shrui %get3A_756, %shift_right_logical3A_765 : vector<16xi32>
    %add3A_767 = arith.addi %mul3A_763, %shift_right_logical3A_766 : vector<16xi32>
    %swap3A_768 = arith.constant 3 : i32
    %swap3A_769 = arith.index_cast %swap3A_768 : i32 to index
    %swap3A_770 = arith.constant 80 : index
    %swap3A_771 = tpu.vector_load %arg8[%swap3A_769, %swap3A_770] {strides = array<i32>} : memref<4x128xi32, #tpu.memory_space<vmem>>, vector<1x16xi32>,
    %swap3A_772 = vector.shape_cast %swap3A_771 : vector<1x16xi32> to vector<16xi32>
    %swap3A_773 = vector.shape_cast %add3A_767 : vector<16xi32> to vector<1x16xi32>
    tpu.vector_store %arg8[%swap3A_769, %swap3A_770], %swap3A_773 {strides = array<i32>} : memref<4x128xi32, #tpu.memory_space<vmem>>, vector<1x16xi32>,
    %swap3A_774 = arith.constant 3 : i32
    %swap3A_775 = arith.index_cast %swap3A_774 : i32 to index
    %swap3A_776 = arith.constant 80 : index
    %swap3A_777 = tpu.vector_load %arg9[%swap3A_775, %swap3A_776] {strides = array<i32>} : memref<4x128xi32, #tpu.memory_space<vmem>>, vector<1x16xi32>,
    %swap3A_778 = vector.shape_cast %swap3A_777 : vector<1x16xi32> to vector<16xi32>
    %swap3A_779 = vector.shape_cast %get3A_756 : vector<16xi32> to vector<1x16xi32>
    tpu.vector_store %arg9[%swap3A_775, %swap3A_776], %swap3A_779 {strides = array<i32>} : memref<4x128xi32, #tpu.memory_space<vmem>>, vector<1x16xi32>,
    %get3A_780 = arith.constant 480 : index
    %get3A_781 = tpu.vector_load %arg7[%get3A_780] {strides = array<i32>} : memref<512xi32, #tpu.memory_space<vmem>>, vector<16xi32>,
    %get3A_782 = vector.shape_cast %get3A_781 : vector<16xi32> to vector<16xi32>
    %add3A_783 = arith.constant 480 : i32
    %add3A_784 = arith.addi %mul3A_2, %add3A_783 : i32
    %add3A_785 = vector.broadcast %add3A_784 : i32 to vector<16xi32>
    %add3A_786 = arith.addi %add3A_785, %iota3A : vector<16xi32>
    %mul3A_787 = arith.constant 128 : i32
    %mul3A_788 = vector.broadcast %mul3A_787 : i32 to vector<16xi32>
    %mul3A_789 = arith.muli %add3A_786, %mul3A_788 : vector<16xi32>
    %shift_right_logical3A_790 = arith.constant 4 : i32
    %shift_right_logical3A_791 = vector.broadcast %shift_right_logical3A_790 : i32 to vector<16xi32>
    %shift_right_logical3A_792 = arith.shrui %get3A_782, %shift_right_logical3A_791 : vector<16xi32>
    %add3A_793 = arith.addi %mul3A_789, %shift_right_logical3A_792 : vector<16xi32>
    %swap3A_794 = arith.constant 3 : i32
    %swap3A_795 = arith.index_cast %swap3A_794 : i32 to index
    %swap3A_796 = arith.constant 96 : index
    %swap3A_797 = tpu.vector_load %arg8[%swap3A_795, %swap3A_796] {strides = array<i32>} : memref<4x128xi32, #tpu.memory_space<vmem>>, vector<1x16xi32>,
    %swap3A_798 = vector.shape_cast %swap3A_797 : vector<1x16xi32> to vector<16xi32>
    %swap3A_799 = vector.shape_cast %add3A_793 : vector<16xi32> to vector<1x16xi32>
    tpu.vector_store %arg8[%swap3A_795, %swap3A_796], %swap3A_799 {strides = array<i32>} : memref<4x128xi32, #tpu.memory_space<vmem>>, vector<1x16xi32>,
    %swap3A_800 = arith.constant 3 : i32
    %swap3A_801 = arith.index_cast %swap3A_800 : i32 to index
    %swap3A_802 = arith.constant 96 : index
    %swap3A_803 = tpu.vector_load %arg9[%swap3A_801, %swap3A_802] {strides = array<i32>} : memref<4x128xi32, #tpu.memory_space<vmem>>, vector<1x16xi32>,
    %swap3A_804 = vector.shape_cast %swap3A_803 : vector<1x16xi32> to vector<16xi32>
    %swap3A_805 = vector.shape_cast %get3A_782 : vector<16xi32> to vector<1x16xi32>
    tpu.vector_store %arg9[%swap3A_801, %swap3A_802], %swap3A_805 {strides = array<i32>} : memref<4x128xi32, #tpu.memory_space<vmem>>, vector<1x16xi32>,
    %get3A_806 = arith.constant 496 : index
    %get3A_807 = tpu.vector_load %arg7[%get3A_806] {strides = array<i32>} : memref<512xi32, #tpu.memory_space<vmem>>, vector<16xi32>,
    %get3A_808 = vector.shape_cast %get3A_807 : vector<16xi32> to vector<16xi32>
    %add3A_809 = arith.constant 496 : i32
    %add3A_810 = arith.addi %mul3A_2, %add3A_809 : i32
    %add3A_811 = vector.broadcast %add3A_810 : i32 to vector<16xi32>
    %add3A_812 = arith.addi %add3A_811, %iota3A : vector<16xi32>
    %mul3A_813 = arith.constant 128 : i32
    %mul3A_814 = vector.broadcast %mul3A_813 : i32 to vector<16xi32>
    %mul3A_815 = arith.muli %add3A_812, %mul3A_814 : vector<16xi32>
    %shift_right_logical3A_816 = arith.constant 4 : i32
    %shift_right_logical3A_817 = vector.broadcast %shift_right_logical3A_816 : i32 to vector<16xi32>
    %shift_right_logical3A_818 = arith.shrui %get3A_808, %shift_right_logical3A_817 : vector<16xi32>
    %add3A_819 = arith.addi %mul3A_815, %shift_right_logical3A_818 : vector<16xi32>
    %swap3A_820 = arith.constant 3 : i32
    %swap3A_821 = arith.index_cast %swap3A_820 : i32 to index
    %swap3A_822 = arith.constant 112 : index
    %swap3A_823 = tpu.vector_load %arg8[%swap3A_821, %swap3A_822] {strides = array<i32>} : memref<4x128xi32, #tpu.memory_space<vmem>>, vector<1x16xi32>,
    %swap3A_824 = vector.shape_cast %swap3A_823 : vector<1x16xi32> to vector<16xi32>
    %swap3A_825 = vector.shape_cast %add3A_819 : vector<16xi32> to vector<1x16xi32>
    tpu.vector_store %arg8[%swap3A_821, %swap3A_822], %swap3A_825 {strides = array<i32>} : memref<4x128xi32, #tpu.memory_space<vmem>>, vector<1x16xi32>,
    %swap3A_826 = arith.constant 3 : i32
    %swap3A_827 = arith.index_cast %swap3A_826 : i32 to index
    %swap3A_828 = arith.constant 112 : index
    %swap3A_829 = tpu.vector_load %arg9[%swap3A_827, %swap3A_828] {strides = array<i32>} : memref<4x128xi32, #tpu.memory_space<vmem>>, vector<1x16xi32>,
    %swap3A_830 = vector.shape_cast %swap3A_829 : vector<1x16xi32> to vector<16xi32>
    %swap3A_831 = vector.shape_cast %get3A_808 : vector<16xi32> to vector<1x16xi32>
    tpu.vector_store %arg9[%swap3A_827, %swap3A_828], %swap3A_831 {strides = array<i32>} : memref<4x128xi32, #tpu.memory_space<vmem>>, vector<1x16xi32>,
    %dma_start3A = arith.constant 0 : i32
    %dma_start3A_832 = arith.constant 0 : i32
    %dma_start3A_833 = arith.constant 0 : i32
    %dma_start3A_834 = tpu.memref_slice %arg10[%dma_start3A_832, %dma_start3A_833] : memref<512x16xf32, #tpu.memory_space<vmem>> -> memref<128x16xf32, #tpu.memory_space<vmem>>
    %dma_start3A_835 = arith.constant 0 : i32
    %dma_start3A_836 = tpu.memref_slice %arg8[%dma_start3A, %dma_start3A_835] : memref<4x128xi32, #tpu.memory_space<vmem>> -> memref<1x128xi32, #tpu.memory_space<vmem>>
    %dma_start3A_837 = tpu.memref_squeeze %dma_start3A_836 : memref<1x128xi32, #tpu.memory_space<vmem>> -> memref<128xi32, #tpu.memory_space<vmem>>
    %dma_start3A_838 = arith.constant 0 : i32
    %dma_start3A_839 = arith.constant 0 : i32
    %dma_start3A_840 = tpu.memref_slice %arg2[%dma_start3A_838, %dma_start3A_839] : memref<2097152x16xf32, #tpu.memory_space<hbm>> -> memref<2097152x16xf32, #tpu.memory_space<hbm>>
    tpu.enqueue_indirect_dma source(%dma_start3A_840 : memref<2097152x16xf32, #tpu.memory_space<hbm>>) target(%dma_start3A_834 : memref<128x16xf32, #tpu.memory_space<vmem>>) offsets(%dma_start3A_837 : memref<128xi32, #tpu.memory_space<vmem>>) semaphore(%arg12 : memref<!tpu.dma_semaphore, #tpu.memory_space<semaphore_mem>>)
    %dma_wait3A = arith.constant 0 : i32
    %dma_wait3A_841 = arith.constant 0 : i32
    %dma_wait3A_842 = arith.constant 0 : i32
    %dma_wait3A_843 = tpu.memref_slice %arg10[%dma_wait3A_841, %dma_wait3A_842] : memref<512x16xf32, #tpu.memory_space<vmem>> -> memref<128x16xf32, #tpu.memory_space<vmem>>
    %dma_wait3A_844 = arith.constant 0 : i32
    %dma_wait3A_845 = tpu.memref_slice %arg8[%dma_wait3A, %dma_wait3A_844] : memref<4x128xi32, #tpu.memory_space<vmem>> -> memref<1x128xi32, #tpu.memory_space<vmem>>
    %dma_wait3A_846 = tpu.memref_squeeze %dma_wait3A_845 : memref<1x128xi32, #tpu.memory_space<vmem>> -> memref<128xi32, #tpu.memory_space<vmem>>
    %dma_wait3A_847 = arith.constant 0 : i32
    %dma_wait3A_848 = arith.constant 0 : i32
    %dma_wait3A_849 = tpu.memref_slice %arg2[%dma_wait3A_847, %dma_wait3A_848] : memref<2097152x16xf32, #tpu.memory_space<hbm>> -> memref<2097152x16xf32, #tpu.memory_space<hbm>>
    tpu.wait_indirect_dma semaphore(%arg12 : memref<!tpu.dma_semaphore, #tpu.memory_space<semaphore_mem>>) src(%dma_wait3A_849 : memref<2097152x16xf32, #tpu.memory_space<hbm>>) dst(%dma_wait3A_843 : memref<128x16xf32, #tpu.memory_space<vmem>>)
    %dma_start3A_850 = arith.constant 0 : i32
    %dma_start3A_851 = arith.constant 0 : i32
    %dma_start3A_852 = arith.constant 0 : i32
    %dma_start3A_853 = tpu.memref_slice %arg11[%dma_start3A_851, %dma_start3A_852] : memref<512x16xf32, #tpu.memory_space<vmem>> -> memref<128x16xf32, #tpu.memory_space<vmem>>
    %dma_start3A_854 = arith.constant 0 : i32
    %dma_start3A_855 = tpu.memref_slice %arg9[%dma_start3A_850, %dma_start3A_854] : memref<4x128xi32, #tpu.memory_space<vmem>> -> memref<1x128xi32, #tpu.memory_space<vmem>>
    %dma_start3A_856 = tpu.memref_squeeze %dma_start3A_855 : memref<1x128xi32, #tpu.memory_space<vmem>> -> memref<128xi32, #tpu.memory_space<vmem>>
    %dma_start3A_857 = arith.constant 0 : i32
    %dma_start3A_858 = arith.constant 0 : i32
    %dma_start3A_859 = tpu.memref_slice %arg3[%dma_start3A_857, %dma_start3A_858] : memref<2048x16xf32, #tpu.memory_space<hbm>> -> memref<2048x16xf32, #tpu.memory_space<hbm>>
    tpu.enqueue_indirect_dma source(%dma_start3A_859 : memref<2048x16xf32, #tpu.memory_space<hbm>>) target(%dma_start3A_853 : memref<128x16xf32, #tpu.memory_space<vmem>>) offsets(%dma_start3A_856 : memref<128xi32, #tpu.memory_space<vmem>>) semaphore(%arg12 : memref<!tpu.dma_semaphore, #tpu.memory_space<semaphore_mem>>)
    %dma_wait3A_860 = arith.constant 0 : i32
    %dma_wait3A_861 = arith.constant 0 : i32
    %dma_wait3A_862 = arith.constant 0 : i32
    %dma_wait3A_863 = tpu.memref_slice %arg11[%dma_wait3A_861, %dma_wait3A_862] : memref<512x16xf32, #tpu.memory_space<vmem>> -> memref<128x16xf32, #tpu.memory_space<vmem>>
    %dma_wait3A_864 = arith.constant 0 : i32
    %dma_wait3A_865 = tpu.memref_slice %arg9[%dma_wait3A_860, %dma_wait3A_864] : memref<4x128xi32, #tpu.memory_space<vmem>> -> memref<1x128xi32, #tpu.memory_space<vmem>>
    %dma_wait3A_866 = tpu.memref_squeeze %dma_wait3A_865 : memref<1x128xi32, #tpu.memory_space<vmem>> -> memref<128xi32, #tpu.memory_space<vmem>>
    %dma_wait3A_867 = arith.constant 0 : i32
    %dma_wait3A_868 = arith.constant 0 : i32
    %dma_wait3A_869 = tpu.memref_slice %arg3[%dma_wait3A_867, %dma_wait3A_868] : memref<2048x16xf32, #tpu.memory_space<hbm>> -> memref<2048x16xf32, #tpu.memory_space<hbm>>
    tpu.wait_indirect_dma semaphore(%arg12 : memref<!tpu.dma_semaphore, #tpu.memory_space<semaphore_mem>>) src(%dma_wait3A_869 : memref<2048x16xf32, #tpu.memory_space<hbm>>) dst(%dma_wait3A_863 : memref<128x16xf32, #tpu.memory_space<vmem>>)
    %dma_start3A_870 = arith.constant 1 : i32
    %dma_start3A_871 = arith.constant 128 : i32
    %dma_start3A_872 = arith.constant 0 : i32
    %dma_start3A_873 = tpu.memref_slice %arg10[%dma_start3A_871, %dma_start3A_872] : memref<512x16xf32, #tpu.memory_space<vmem>> -> memref<128x16xf32, #tpu.memory_space<vmem>>
    %dma_start3A_874 = arith.constant 0 : i32
    %dma_start3A_875 = tpu.memref_slice %arg8[%dma_start3A_870, %dma_start3A_874] : memref<4x128xi32, #tpu.memory_space<vmem>> -> memref<1x128xi32, #tpu.memory_space<vmem>>
    %dma_start3A_876 = tpu.memref_squeeze %dma_start3A_875 : memref<1x128xi32, #tpu.memory_space<vmem>> -> memref<128xi32, #tpu.memory_space<vmem>>
    %dma_start3A_877 = arith.constant 0 : i32
    %dma_start3A_878 = arith.constant 0 : i32
    %dma_start3A_879 = tpu.memref_slice %arg2[%dma_start3A_877, %dma_start3A_878] : memref<2097152x16xf32, #tpu.memory_space<hbm>> -> memref<2097152x16xf32, #tpu.memory_space<hbm>>
    tpu.enqueue_indirect_dma source(%dma_start3A_879 : memref<2097152x16xf32, #tpu.memory_space<hbm>>) target(%dma_start3A_873 : memref<128x16xf32, #tpu.memory_space<vmem>>) offsets(%dma_start3A_876 : memref<128xi32, #tpu.memory_space<vmem>>) semaphore(%arg12 : memref<!tpu.dma_semaphore, #tpu.memory_space<semaphore_mem>>)
    %dma_wait3A_880 = arith.constant 1 : i32
    %dma_wait3A_881 = arith.constant 128 : i32
    %dma_wait3A_882 = arith.constant 0 : i32
    %dma_wait3A_883 = tpu.memref_slice %arg10[%dma_wait3A_881, %dma_wait3A_882] : memref<512x16xf32, #tpu.memory_space<vmem>> -> memref<128x16xf32, #tpu.memory_space<vmem>>
    %dma_wait3A_884 = arith.constant 0 : i32
    %dma_wait3A_885 = tpu.memref_slice %arg8[%dma_wait3A_880, %dma_wait3A_884] : memref<4x128xi32, #tpu.memory_space<vmem>> -> memref<1x128xi32, #tpu.memory_space<vmem>>
    %dma_wait3A_886 = tpu.memref_squeeze %dma_wait3A_885 : memref<1x128xi32, #tpu.memory_space<vmem>> -> memref<128xi32, #tpu.memory_space<vmem>>
    %dma_wait3A_887 = arith.constant 0 : i32
    %dma_wait3A_888 = arith.constant 0 : i32
    %dma_wait3A_889 = tpu.memref_slice %arg2[%dma_wait3A_887, %dma_wait3A_888] : memref<2097152x16xf32, #tpu.memory_space<hbm>> -> memref<2097152x16xf32, #tpu.memory_space<hbm>>
    tpu.wait_indirect_dma semaphore(%arg12 : memref<!tpu.dma_semaphore, #tpu.memory_space<semaphore_mem>>) src(%dma_wait3A_889 : memref<2097152x16xf32, #tpu.memory_space<hbm>>) dst(%dma_wait3A_883 : memref<128x16xf32, #tpu.memory_space<vmem>>)
    %dma_start3A_890 = arith.constant 1 : i32
    %dma_start3A_891 = arith.constant 128 : i32
    %dma_start3A_892 = arith.constant 0 : i32
    %dma_start3A_893 = tpu.memref_slice %arg11[%dma_start3A_891, %dma_start3A_892] : memref<512x16xf32, #tpu.memory_space<vmem>> -> memref<128x16xf32, #tpu.memory_space<vmem>>
    %dma_start3A_894 = arith.constant 0 : i32
    %dma_start3A_895 = tpu.memref_slice %arg9[%dma_start3A_890, %dma_start3A_894] : memref<4x128xi32, #tpu.memory_space<vmem>> -> memref<1x128xi32, #tpu.memory_space<vmem>>
    %dma_start3A_896 = tpu.memref_squeeze %dma_start3A_895 : memref<1x128xi32, #tpu.memory_space<vmem>> -> memref<128xi32, #tpu.memory_space<vmem>>
    %dma_start3A_897 = arith.constant 0 : i32
    %dma_start3A_898 = arith.constant 0 : i32
    %dma_start3A_899 = tpu.memref_slice %arg3[%dma_start3A_897, %dma_start3A_898] : memref<2048x16xf32, #tpu.memory_space<hbm>> -> memref<2048x16xf32, #tpu.memory_space<hbm>>
    tpu.enqueue_indirect_dma source(%dma_start3A_899 : memref<2048x16xf32, #tpu.memory_space<hbm>>) target(%dma_start3A_893 : memref<128x16xf32, #tpu.memory_space<vmem>>) offsets(%dma_start3A_896 : memref<128xi32, #tpu.memory_space<vmem>>) semaphore(%arg12 : memref<!tpu.dma_semaphore, #tpu.memory_space<semaphore_mem>>)
    %dma_wait3A_900 = arith.constant 1 : i32
    %dma_wait3A_901 = arith.constant 128 : i32
    %dma_wait3A_902 = arith.constant 0 : i32
    %dma_wait3A_903 = tpu.memref_slice %arg11[%dma_wait3A_901, %dma_wait3A_902] : memref<512x16xf32, #tpu.memory_space<vmem>> -> memref<128x16xf32, #tpu.memory_space<vmem>>
    %dma_wait3A_904 = arith.constant 0 : i32
    %dma_wait3A_905 = tpu.memref_slice %arg9[%dma_wait3A_900, %dma_wait3A_904] : memref<4x128xi32, #tpu.memory_space<vmem>> -> memref<1x128xi32, #tpu.memory_space<vmem>>
    %dma_wait3A_906 = tpu.memref_squeeze %dma_wait3A_905 : memref<1x128xi32, #tpu.memory_space<vmem>> -> memref<128xi32, #tpu.memory_space<vmem>>
    %dma_wait3A_907 = arith.constant 0 : i32
    %dma_wait3A_908 = arith.constant 0 : i32
    %dma_wait3A_909 = tpu.memref_slice %arg3[%dma_wait3A_907, %dma_wait3A_908] : memref<2048x16xf32, #tpu.memory_space<hbm>> -> memref<2048x16xf32, #tpu.memory_space<hbm>>
    tpu.wait_indirect_dma semaphore(%arg12 : memref<!tpu.dma_semaphore, #tpu.memory_space<semaphore_mem>>) src(%dma_wait3A_909 : memref<2048x16xf32, #tpu.memory_space<hbm>>) dst(%dma_wait3A_903 : memref<128x16xf32, #tpu.memory_space<vmem>>)
    %dma_start3A_910 = arith.constant 2 : i32
    %dma_start3A_911 = arith.constant 256 : i32
    %dma_start3A_912 = arith.constant 0 : i32
    %dma_start3A_913 = tpu.memref_slice %arg10[%dma_start3A_911, %dma_start3A_912] : memref<512x16xf32, #tpu.memory_space<vmem>> -> memref<128x16xf32, #tpu.memory_space<vmem>>
    %dma_start3A_914 = arith.constant 0 : i32
    %dma_start3A_915 = tpu.memref_slice %arg8[%dma_start3A_910, %dma_start3A_914] : memref<4x128xi32, #tpu.memory_space<vmem>> -> memref<1x128xi32, #tpu.memory_space<vmem>>
    %dma_start3A_916 = tpu.memref_squeeze %dma_start3A_915 : memref<1x128xi32, #tpu.memory_space<vmem>> -> memref<128xi32, #tpu.memory_space<vmem>>
    %dma_start3A_917 = arith.constant 0 : i32
    %dma_start3A_918 = arith.constant 0 : i32
    %dma_start3A_919 = tpu.memref_slice %arg2[%dma_start3A_917, %dma_start3A_918] : memref<2097152x16xf32, #tpu.memory_space<hbm>> -> memref<2097152x16xf32, #tpu.memory_space<hbm>>
    tpu.enqueue_indirect_dma source(%dma_start3A_919 : memref<2097152x16xf32, #tpu.memory_space<hbm>>) target(%dma_start3A_913 : memref<128x16xf32, #tpu.memory_space<vmem>>) offsets(%dma_start3A_916 : memref<128xi32, #tpu.memory_space<vmem>>) semaphore(%arg12 : memref<!tpu.dma_semaphore, #tpu.memory_space<semaphore_mem>>)
    %dma_wait3A_920 = arith.constant 2 : i32
    %dma_wait3A_921 = arith.constant 256 : i32
    %dma_wait3A_922 = arith.constant 0 : i32
    %dma_wait3A_923 = tpu.memref_slice %arg10[%dma_wait3A_921, %dma_wait3A_922] : memref<512x16xf32, #tpu.memory_space<vmem>> -> memref<128x16xf32, #tpu.memory_space<vmem>>
    %dma_wait3A_924 = arith.constant 0 : i32
    %dma_wait3A_925 = tpu.memref_slice %arg8[%dma_wait3A_920, %dma_wait3A_924] : memref<4x128xi32, #tpu.memory_space<vmem>> -> memref<1x128xi32, #tpu.memory_space<vmem>>
    %dma_wait3A_926 = tpu.memref_squeeze %dma_wait3A_925 : memref<1x128xi32, #tpu.memory_space<vmem>> -> memref<128xi32, #tpu.memory_space<vmem>>
    %dma_wait3A_927 = arith.constant 0 : i32
    %dma_wait3A_928 = arith.constant 0 : i32
    %dma_wait3A_929 = tpu.memref_slice %arg2[%dma_wait3A_927, %dma_wait3A_928] : memref<2097152x16xf32, #tpu.memory_space<hbm>> -> memref<2097152x16xf32, #tpu.memory_space<hbm>>
    tpu.wait_indirect_dma semaphore(%arg12 : memref<!tpu.dma_semaphore, #tpu.memory_space<semaphore_mem>>) src(%dma_wait3A_929 : memref<2097152x16xf32, #tpu.memory_space<hbm>>) dst(%dma_wait3A_923 : memref<128x16xf32, #tpu.memory_space<vmem>>)
    %dma_start3A_930 = arith.constant 2 : i32
    %dma_start3A_931 = arith.constant 256 : i32
    %dma_start3A_932 = arith.constant 0 : i32
    %dma_start3A_933 = tpu.memref_slice %arg11[%dma_start3A_931, %dma_start3A_932] : memref<512x16xf32, #tpu.memory_space<vmem>> -> memref<128x16xf32, #tpu.memory_space<vmem>>
    %dma_start3A_934 = arith.constant 0 : i32
    %dma_start3A_935 = tpu.memref_slice %arg9[%dma_start3A_930, %dma_start3A_934] : memref<4x128xi32, #tpu.memory_space<vmem>> -> memref<1x128xi32, #tpu.memory_space<vmem>>
    %dma_start3A_936 = tpu.memref_squeeze %dma_start3A_935 : memref<1x128xi32, #tpu.memory_space<vmem>> -> memref<128xi32, #tpu.memory_space<vmem>>
    %dma_start3A_937 = arith.constant 0 : i32
    %dma_start3A_938 = arith.constant 0 : i32
    %dma_start3A_939 = tpu.memref_slice %arg3[%dma_start3A_937, %dma_start3A_938] : memref<2048x16xf32, #tpu.memory_space<hbm>> -> memref<2048x16xf32, #tpu.memory_space<hbm>>
    tpu.enqueue_indirect_dma source(%dma_start3A_939 : memref<2048x16xf32, #tpu.memory_space<hbm>>) target(%dma_start3A_933 : memref<128x16xf32, #tpu.memory_space<vmem>>) offsets(%dma_start3A_936 : memref<128xi32, #tpu.memory_space<vmem>>) semaphore(%arg12 : memref<!tpu.dma_semaphore, #tpu.memory_space<semaphore_mem>>)
    %dma_wait3A_940 = arith.constant 2 : i32
    %dma_wait3A_941 = arith.constant 256 : i32
    %dma_wait3A_942 = arith.constant 0 : i32
    %dma_wait3A_943 = tpu.memref_slice %arg11[%dma_wait3A_941, %dma_wait3A_942] : memref<512x16xf32, #tpu.memory_space<vmem>> -> memref<128x16xf32, #tpu.memory_space<vmem>>
    %dma_wait3A_944 = arith.constant 0 : i32
    %dma_wait3A_945 = tpu.memref_slice %arg9[%dma_wait3A_940, %dma_wait3A_944] : memref<4x128xi32, #tpu.memory_space<vmem>> -> memref<1x128xi32, #tpu.memory_space<vmem>>
    %dma_wait3A_946 = tpu.memref_squeeze %dma_wait3A_945 : memref<1x128xi32, #tpu.memory_space<vmem>> -> memref<128xi32, #tpu.memory_space<vmem>>
    %dma_wait3A_947 = arith.constant 0 : i32
    %dma_wait3A_948 = arith.constant 0 : i32
    %dma_wait3A_949 = tpu.memref_slice %arg3[%dma_wait3A_947, %dma_wait3A_948] : memref<2048x16xf32, #tpu.memory_space<hbm>> -> memref<2048x16xf32, #tpu.memory_space<hbm>>
    tpu.wait_indirect_dma semaphore(%arg12 : memref<!tpu.dma_semaphore, #tpu.memory_space<semaphore_mem>>) src(%dma_wait3A_949 : memref<2048x16xf32, #tpu.memory_space<hbm>>) dst(%dma_wait3A_943 : memref<128x16xf32, #tpu.memory_space<vmem>>)
    %dma_start3A_950 = arith.constant 3 : i32
    %dma_start3A_951 = arith.constant 384 : i32
    %dma_start3A_952 = arith.constant 0 : i32
    %dma_start3A_953 = tpu.memref_slice %arg10[%dma_start3A_951, %dma_start3A_952] : memref<512x16xf32, #tpu.memory_space<vmem>> -> memref<128x16xf32, #tpu.memory_space<vmem>>
    %dma_start3A_954 = arith.constant 0 : i32
    %dma_start3A_955 = tpu.memref_slice %arg8[%dma_start3A_950, %dma_start3A_954] : memref<4x128xi32, #tpu.memory_space<vmem>> -> memref<1x128xi32, #tpu.memory_space<vmem>>
    %dma_start3A_956 = tpu.memref_squeeze %dma_start3A_955 : memref<1x128xi32, #tpu.memory_space<vmem>> -> memref<128xi32, #tpu.memory_space<vmem>>
    %dma_start3A_957 = arith.constant 0 : i32
    %dma_start3A_958 = arith.constant 0 : i32
    %dma_start3A_959 = tpu.memref_slice %arg2[%dma_start3A_957, %dma_start3A_958] : memref<2097152x16xf32, #tpu.memory_space<hbm>> -> memref<2097152x16xf32, #tpu.memory_space<hbm>>
    tpu.enqueue_indirect_dma source(%dma_start3A_959 : memref<2097152x16xf32, #tpu.memory_space<hbm>>) target(%dma_start3A_953 : memref<128x16xf32, #tpu.memory_space<vmem>>) offsets(%dma_start3A_956 : memref<128xi32, #tpu.memory_space<vmem>>) semaphore(%arg12 : memref<!tpu.dma_semaphore, #tpu.memory_space<semaphore_mem>>)
    %dma_wait3A_960 = arith.constant 3 : i32
    %dma_wait3A_961 = arith.constant 384 : i32
    %dma_wait3A_962 = arith.constant 0 : i32
    %dma_wait3A_963 = tpu.memref_slice %arg10[%dma_wait3A_961, %dma_wait3A_962] : memref<512x16xf32, #tpu.memory_space<vmem>> -> memref<128x16xf32, #tpu.memory_space<vmem>>
    %dma_wait3A_964 = arith.constant 0 : i32
    %dma_wait3A_965 = tpu.memref_slice %arg8[%dma_wait3A_960, %dma_wait3A_964] : memref<4x128xi32, #tpu.memory_space<vmem>> -> memref<1x128xi32, #tpu.memory_space<vmem>>
    %dma_wait3A_966 = tpu.memref_squeeze %dma_wait3A_965 : memref<1x128xi32, #tpu.memory_space<vmem>> -> memref<128xi32, #tpu.memory_space<vmem>>
    %dma_wait3A_967 = arith.constant 0 : i32
    %dma_wait3A_968 = arith.constant 0 : i32
    %dma_wait3A_969 = tpu.memref_slice %arg2[%dma_wait3A_967, %dma_wait3A_968] : memref<2097152x16xf32, #tpu.memory_space<hbm>> -> memref<2097152x16xf32, #tpu.memory_space<hbm>>
    tpu.wait_indirect_dma semaphore(%arg12 : memref<!tpu.dma_semaphore, #tpu.memory_space<semaphore_mem>>) src(%dma_wait3A_969 : memref<2097152x16xf32, #tpu.memory_space<hbm>>) dst(%dma_wait3A_963 : memref<128x16xf32, #tpu.memory_space<vmem>>)
    %dma_start3A_970 = arith.constant 3 : i32
    %dma_start3A_971 = arith.constant 384 : i32
    %dma_start3A_972 = arith.constant 0 : i32
    %dma_start3A_973 = tpu.memref_slice %arg11[%dma_start3A_971, %dma_start3A_972] : memref<512x16xf32, #tpu.memory_space<vmem>> -> memref<128x16xf32, #tpu.memory_space<vmem>>
    %dma_start3A_974 = arith.constant 0 : i32
    %dma_start3A_975 = tpu.memref_slice %arg9[%dma_start3A_970, %dma_start3A_974] : memref<4x128xi32, #tpu.memory_space<vmem>> -> memref<1x128xi32, #tpu.memory_space<vmem>>
    %dma_start3A_976 = tpu.memref_squeeze %dma_start3A_975 : memref<1x128xi32, #tpu.memory_space<vmem>> -> memref<128xi32, #tpu.memory_space<vmem>>
    %dma_start3A_977 = arith.constant 0 : i32
    %dma_start3A_978 = arith.constant 0 : i32
    %dma_start3A_979 = tpu.memref_slice %arg3[%dma_start3A_977, %dma_start3A_978] : memref<2048x16xf32, #tpu.memory_space<hbm>> -> memref<2048x16xf32, #tpu.memory_space<hbm>>
    tpu.enqueue_indirect_dma source(%dma_start3A_979 : memref<2048x16xf32, #tpu.memory_space<hbm>>) target(%dma_start3A_973 : memref<128x16xf32, #tpu.memory_space<vmem>>) offsets(%dma_start3A_976 : memref<128xi32, #tpu.memory_space<vmem>>) semaphore(%arg12 : memref<!tpu.dma_semaphore, #tpu.memory_space<semaphore_mem>>)
    %dma_wait3A_980 = arith.constant 3 : i32
    %dma_wait3A_981 = arith.constant 384 : i32
    %dma_wait3A_982 = arith.constant 0 : i32
    %dma_wait3A_983 = tpu.memref_slice %arg11[%dma_wait3A_981, %dma_wait3A_982] : memref<512x16xf32, #tpu.memory_space<vmem>> -> memref<128x16xf32, #tpu.memory_space<vmem>>
    %dma_wait3A_984 = arith.constant 0 : i32
    %dma_wait3A_985 = tpu.memref_slice %arg9[%dma_wait3A_980, %dma_wait3A_984] : memref<4x128xi32, #tpu.memory_space<vmem>> -> memref<1x128xi32, #tpu.memory_space<vmem>>
    %dma_wait3A_986 = tpu.memref_squeeze %dma_wait3A_985 : memref<1x128xi32, #tpu.memory_space<vmem>> -> memref<128xi32, #tpu.memory_space<vmem>>
    %dma_wait3A_987 = arith.constant 0 : i32
    %dma_wait3A_988 = arith.constant 0 : i32
    %dma_wait3A_989 = tpu.memref_slice %arg3[%dma_wait3A_987, %dma_wait3A_988] : memref<2048x16xf32, #tpu.memory_space<hbm>> -> memref<2048x16xf32, #tpu.memory_space<hbm>>
    tpu.wait_indirect_dma semaphore(%arg12 : memref<!tpu.dma_semaphore, #tpu.memory_space<semaphore_mem>>) src(%dma_wait3A_989 : memref<2048x16xf32, #tpu.memory_space<hbm>>) dst(%dma_wait3A_983 : memref<128x16xf32, #tpu.memory_space<vmem>>)
    "tpu.region"() ({
      %run_scoped3A = tpu.sem_alloc : memref<!tpu.dma_semaphore, #tpu.memory_space<semaphore_mem>>
      %dma_start3A_990 = arith.constant 0 : i32
      %dma_start3A_991 = tpu.memref_slice %arg5[%mul3A_2, %dma_start3A_990] : memref<16384x16xf32, #tpu.memory_space<hbm>> -> memref<512x16xf32, #tpu.memory_space<hbm>>
      %dma_start3A_992 = arith.constant 0 : i32
      %dma_start3A_993 = tpu.memref_slice %arg5[%mul3A_2, %dma_start3A_992] : memref<16384x16xf32, #tpu.memory_space<hbm>> -> memref<512x16xf32, #tpu.memory_space<hbm>>
      tpu.enqueue_dma source(%arg10 : memref<512x16xf32, #tpu.memory_space<vmem>>) target(%dma_start3A_993 : memref<512x16xf32, #tpu.memory_space<hbm>>) target_semaphore(%run_scoped3A : memref<!tpu.dma_semaphore, #tpu.memory_space<semaphore_mem>>)
      %dma_wait3A_994 = arith.constant 0 : i32
      %dma_wait3A_995 = tpu.memref_slice %arg5[%mul3A_2, %dma_wait3A_994] : memref<16384x16xf32, #tpu.memory_space<hbm>> -> memref<512x16xf32, #tpu.memory_space<hbm>>
      %dma_wait3A_996 = arith.constant 0 : i32
      %dma_wait3A_997 = tpu.memref_slice %arg5[%mul3A_2, %dma_wait3A_996] : memref<16384x16xf32, #tpu.memory_space<hbm>> -> memref<512x16xf32, #tpu.memory_space<hbm>>
      tpu.wait_dma2 semaphore(%run_scoped3A : memref<!tpu.dma_semaphore, #tpu.memory_space<semaphore_mem>>) src(%arg10 : memref<512x16xf32, #tpu.memory_space<vmem>>) dst(%dma_wait3A_997 : memref<512x16xf32, #tpu.memory_space<hbm>>)
      tpu.yield
    }) : () -> ()
    "tpu.region"() ({
      %run_scoped3A = tpu.sem_alloc : memref<!tpu.dma_semaphore, #tpu.memory_space<semaphore_mem>>
      %dma_start3A_990 = arith.constant 0 : i32
      %dma_start3A_991 = tpu.memref_slice %arg6[%mul3A_2, %dma_start3A_990] : memref<16384x16xf32, #tpu.memory_space<hbm>> -> memref<512x16xf32, #tpu.memory_space<hbm>>
      %dma_start3A_992 = arith.constant 0 : i32
      %dma_start3A_993 = tpu.memref_slice %arg6[%mul3A_2, %dma_start3A_992] : memref<16384x16xf32, #tpu.memory_space<hbm>> -> memref<512x16xf32, #tpu.memory_space<hbm>>
      tpu.enqueue_dma source(%arg11 : memref<512x16xf32, #tpu.memory_space<vmem>>) target(%dma_start3A_993 : memref<512x16xf32, #tpu.memory_space<hbm>>) target_semaphore(%run_scoped3A : memref<!tpu.dma_semaphore, #tpu.memory_space<semaphore_mem>>)
      %dma_wait3A_994 = arith.constant 0 : i32
      %dma_wait3A_995 = tpu.memref_slice %arg6[%mul3A_2, %dma_wait3A_994] : memref<16384x16xf32, #tpu.memory_space<hbm>> -> memref<512x16xf32, #tpu.memory_space<hbm>>
      %dma_wait3A_996 = arith.constant 0 : i32
      %dma_wait3A_997 = tpu.memref_slice %arg6[%mul3A_2, %dma_wait3A_996] : memref<16384x16xf32, #tpu.memory_space<hbm>> -> memref<512x16xf32, #tpu.memory_space<hbm>>
      tpu.wait_dma2 semaphore(%run_scoped3A : memref<!tpu.dma_semaphore, #tpu.memory_space<semaphore_mem>>) src(%arg11 : memref<512x16xf32, #tpu.memory_space<vmem>>) dst(%dma_wait3A_997 : memref<512x16xf32, #tpu.memory_space<hbm>>)
      tpu.yield
    }) : () -> ()
    return
  }
}

module attributes {stable_mosaic.version = 14 : i64} {
  func.func @_lse_body(%arg0: i32, %arg1: memref<1024x4xf32, #tpu.memory_space<vmem>>, %arg2: memref<1024x2048xf32, #tpu.memory_space<vmem>>, %arg3: memref<4x2048xf32, #tpu.memory_space<vmem>>, %arg4: memref<1x1xf32, #tpu.memory_space<vmem>>) attributes {dimension_semantics = [#tpu.dimension_semantics<arbitrary>], iteration_bounds = array<i64: 16>, scalar_prefetch = 0 : i64, scratch_operands = 0 : i64, tpu.core_type = #tpu.core_type<tc>, window_params = [{transform_indices = @transform_0, window_bounds = array<i64: 1024, 4>}, {transform_indices = @transform_1, window_bounds = array<i64: 1024, 2048>}, {pipeline_mode = #tpu.pipeline_mode<synchronous>, transform_indices = @transform_2, window_bounds = array<i64: 4, 2048>}, {pipeline_mode = #tpu.pipeline_mode<synchronous>, transform_indices = @transform_3, window_bounds = array<i64: 1, 1>}]} {
    %get3A = arith.constant 0 : index
    %get3A_0 = arith.constant 0 : index
    %get3A_1 = vector.load %arg1[%get3A, %get3A_0] : memref<1024x4xf32, #tpu.memory_space<vmem>>, vector<1024x4xf32>
    %get3A_2 = arith.constant 0 : index
    %get3A_3 = arith.constant 0 : index
    %get3A_4 = vector.load %arg3[%get3A_2, %get3A_3] : memref<4x2048xf32, #tpu.memory_space<vmem>>, vector<4x2048xf32>
    %dot_general3A = arith.constant dense<0.000000e+00> : vector<1024x2048xf32>
    %dot_general3A_5 = tpu.matmul %get3A_1, %get3A_4, %dot_general3A {dimension_numbers = #tpu.dot_dimension_numbers<[1], [0], [0], [1], [0, 0, 1, 1], [], []>, transpose_lhs_hint = false} : vector<1024x4xf32>, vector<4x2048xf32>, vector<1024x2048xf32> -> vector<1024x2048xf32>
    %get3A_6 = arith.constant 0 : index
    %get3A_7 = arith.constant 0 : index
    %get3A_8 = vector.load %arg2[%get3A_6, %get3A_7] : memref<1024x2048xf32, #tpu.memory_space<vmem>>, vector<1024x2048xf32>
    %mul3A = arith.mulf %dot_general3A_5, %get3A_8 : vector<1024x2048xf32>
    %exp3A = math.exp %mul3A : vector<1024x2048xf32>
    %reduce_sum3A = arith.constant dense<0.000000e+00> : vector<1024xf32>
    %reduce_sum3A_9 = vector.multi_reduction <add>, %exp3A, %reduce_sum3A [1] : vector<1024x2048xf32> to vector<1024xf32>
    %log3A = math.log %reduce_sum3A_9 : vector<1024xf32>
    %reduce_sum3A_10 = vector.shape_cast %log3A : vector<1024xf32> to vector<1x1024xf32>
    %reduce_sum3A_11 = arith.constant dense<0.000000e+00> : vector<1xf32>
    %reduce_sum3A_12 = vector.multi_reduction <add>, %reduce_sum3A_10, %reduce_sum3A_11 [1] : vector<1x1024xf32> to vector<1xf32>
    %reduce_sum3A_13 = vector.shape_cast %reduce_sum3A_12 : vector<1xf32> to vector<1x1xf32>
    %reduce_sum3A_14 = vector.extract %reduce_sum3A_13[0, 0] : f32 from vector<1x1xf32>
    %reshape3A = vector.broadcast %reduce_sum3A_14 : f32 to vector<1x1xf32>
    %eq3A = arith.constant 0 : i32
    %eq3A_15 = arith.cmpi eq, %arg0, %eq3A : i32
    %convert_element_type3A = arith.extui %eq3A_15 : i1 to i32
    %cond3A = arith.constant 0 : i32
    %cond3A_16 = arith.cmpi ne, %convert_element_type3A, %cond3A : i32
    scf.if %cond3A_16 {
      %broadcast_in_dim3A = arith.constant 0.000000e+00 : f32
      %broadcast_in_dim3A_22 = vector.broadcast %broadcast_in_dim3A : f32 to vector<1x1xf32>
      %swap3A_23 = arith.constant 0 : index
      %swap3A_24 = arith.constant 0 : index
      %swap3A_25 = vector.load %arg4[%swap3A_23, %swap3A_24] : memref<1x1xf32, #tpu.memory_space<vmem>>, vector<1x1xf32>
      tpu.vector_store %arg4[%swap3A_23, %swap3A_24], %broadcast_in_dim3A_22 {strides = array<i32>} : memref<1x1xf32, #tpu.memory_space<vmem>>, vector<1x1xf32>,
    } else {
    }
    %get3A_17 = arith.constant 0 : index
    %get3A_18 = arith.constant 0 : index
    %get3A_19 = vector.load %arg4[%get3A_17, %get3A_18] : memref<1x1xf32, #tpu.memory_space<vmem>>, vector<1x1xf32>
    %add3A = arith.addf %get3A_19, %reshape3A : vector<1x1xf32>
    %swap3A = arith.constant 0 : index
    %swap3A_20 = arith.constant 0 : index
    %swap3A_21 = vector.load %arg4[%swap3A, %swap3A_20] : memref<1x1xf32, #tpu.memory_space<vmem>>, vector<1x1xf32>
    tpu.vector_store %arg4[%swap3A, %swap3A_20], %add3A {strides = array<i32>} : memref<1x1xf32, #tpu.memory_space<vmem>>, vector<1x1xf32>,
    return
  }
  func.func @transform_0(%arg0: i32) -> (i32, i32) {
    %c0_i32 = arith.constant 0 : i32
    %c0_i32_0 = arith.constant 0 : i32
    return %arg0, %c0_i32 : i32, i32
  }
  func.func @transform_1(%arg0: i32) -> (i32, i32) {
    %c0_i32 = arith.constant 0 : i32
    %c0_i32_0 = arith.constant 0 : i32
    return %arg0, %c0_i32 : i32, i32
  }
  func.func @transform_2(%arg0: i32) -> (i32, i32) {
    %c0_i32 = arith.constant 0 : i32
    %c0_i32_0 = arith.constant 0 : i32
    %c0_i32_1 = arith.constant 0 : i32
    return %c0_i32, %c0_i32_0 : i32, i32
  }
  func.func @transform_3(%arg0: i32) -> (i32, i32) {
    %c0_i32 = arith.constant 0 : i32
    %c0_i32_0 = arith.constant 0 : i32
    %c0_i32_1 = arith.constant 0 : i32
    return %c0_i32, %c0_i32_0 : i32, i32
  }
}

module attributes {stable_mosaic.version = 14 : i64} {
  func.func @_fin_body(%arg0: memref<1x1xf32, #tpu.memory_space<vmem>>, %arg1: memref<2048x128xf32, #tpu.memory_space<vmem>>, %arg2: memref<2048x128xf32, #tpu.memory_space<vmem>>, %arg3: memref<2048x128xf32, #tpu.memory_space<vmem>>, %arg4: memref<2048x128xf32, #tpu.memory_space<vmem>>, %arg5: memref<1x1xf32, #tpu.memory_space<vmem>>) attributes {dimension_semantics = [], scalar_prefetch = 0 : i64, scratch_operands = 0 : i64, tpu.core_type = #tpu.core_type<tc>} {
    %get3A = arith.constant 0 : index
    %get3A_0 = arith.constant 0 : index
    %get3A_1 = vector.load %arg2[%get3A, %get3A_0] : memref<2048x128xf32, #tpu.memory_space<vmem>>, vector<2048x128xf32>
    %get3A_2 = arith.constant 0 : index
    %get3A_3 = arith.constant 0 : index
    %get3A_4 = vector.load %arg3[%get3A_2, %get3A_3] : memref<2048x128xf32, #tpu.memory_space<vmem>>, vector<2048x128xf32>
    %mul3A = arith.mulf %get3A_1, %get3A_4 : vector<2048x128xf32>
    %reshape3A = vector.shape_cast %mul3A : vector<2048x128xf32> to vector<2048x8x16xf32>
    %reduce_sum3A = arith.constant dense<0.000000e+00> : vector<2048x8xf32>
    %reduce_sum3A_5 = vector.multi_reduction <add>, %reshape3A, %reduce_sum3A [2] : vector<2048x8x16xf32> to vector<2048x8xf32>
    %get3A_6 = arith.constant 0 : index
    %get3A_7 = arith.constant 0 : index
    %get3A_8 = vector.load %arg1[%get3A_6, %get3A_7] : memref<2048x128xf32, #tpu.memory_space<vmem>>, vector<2048x128xf32>
    %get3A_9 = arith.constant 0 : index
    %get3A_10 = arith.constant 0 : index
    %get3A_11 = vector.load %arg4[%get3A_9, %get3A_10] : memref<2048x128xf32, #tpu.memory_space<vmem>>, vector<2048x128xf32>
    %mul3A_12 = arith.mulf %get3A_8, %get3A_11 : vector<2048x128xf32>
    %reshape3A_13 = vector.shape_cast %mul3A_12 : vector<2048x128xf32> to vector<2048x8x16xf32>
    %reduce_sum3A_14 = arith.constant dense<0.000000e+00> : vector<2048x8xf32>
    %reduce_sum3A_15 = vector.multi_reduction <add>, %reshape3A_13, %reduce_sum3A_14 [2] : vector<2048x8x16xf32> to vector<2048x8xf32>
    %get3A_16 = arith.constant 0 : index
    %get3A_17 = arith.constant 0 : index
    %get3A_18 = vector.load %arg0[%get3A_16, %get3A_17] : memref<1x1xf32, #tpu.memory_space<vmem>>, vector<1x1xf32>
    %get3A_19 = vector.extract %get3A_18[0, 0] : f32 from vector<1x1xf32>
    %mul3A_20 = arith.mulf %reduce_sum3A_5, %reduce_sum3A_15 : vector<2048x8xf32>
    %reduce_sum3A_21 = vector.shape_cast %mul3A_20 : vector<2048x8xf32> to vector<1x2048x8xf32>
    %reduce_sum3A_22 = arith.constant dense<0.000000e+00> : vector<1xf32>
    %reduce_sum3A_23 = vector.multi_reduction <add>, %reduce_sum3A_21, %reduce_sum3A_22 [1, 2] : vector<1x2048x8xf32> to vector<1xf32>
    %reduce_sum3A_24 = vector.shape_cast %reduce_sum3A_23 : vector<1xf32> to vector<1x1x1xf32>
    %reduce_sum3A_25 = vector.extract %reduce_sum3A_24[0, 0, 0] : f32 from vector<1x1x1xf32>
    %sub3A = arith.subf %get3A_19, %reduce_sum3A_25 : f32
    %div3A = arith.constant 1.638400e+04 : f32
    %div3A_26 = arith.divf %sub3A, %div3A : f32
    %reshape3A_27 = vector.broadcast %div3A_26 : f32 to vector<1x1xf32>
    %swap3A = arith.constant 0 : index
    %swap3A_28 = arith.constant 0 : index
    %swap3A_29 = vector.load %arg5[%swap3A, %swap3A_28] : memref<1x1xf32, #tpu.memory_space<vmem>>, vector<1x1xf32>
    tpu.vector_store %arg5[%swap3A, %swap3A_28], %reshape3A_27 {strides = array<i32>} : memref<1x1xf32, #tpu.memory_space<vmem>>, vector<1x1xf32>,
    return
  }
}

</mosaic_0001>

<sc_bundles>
// kernel: kernel.5.cloned.1.call-start
scs
__scs_entry_jumppad:
0x0: {  	(pc) =	sbr.rel $0x88, $3  }
0x1: {  	(tag) =	ssettag $0x0;
	lr =	simm.s32 $0x1  }
0x2: {  	[smem:$0x3F9D] =	sst lr;
	_ =	strace $0xD0000000  }
0x3: {  	_ = 	snop  }
0x4: {  	_ = 	snop  }
0x5: {  	_ = 	snop  }
0x6: {  	_ = 	snop  }
0x7: {  	_ = 	snop  }
__scs_overlays_trampoline_lowered:
0x8: {  	[smem:$0x3FAC] =	sst s0  }
0x9: {  	[smem:$0x3FAD] =	sst s1  }
0xa: {  	[smem:$0x3FAE] =	sst s2  }
0xb: {  	[smem:$0x3FAF] =	sst s3  }
0xc: {  	[smem:$0x3FB0] =	sst s4  }
0xd: {  	[smem:$0x3FB1] =	sst s5  }
0xe: {  	[smem:$0x3FB2] =	sst s6  }
0xf: {  	[smem:$0x3FB3] =	sst s7  }
0x10: {  	[smem:$0x3FB4] =	sst s8  }
0x11: {  	[smem:$0x3FB5] =	sst s9;
	s0 =	simm.s32 @!p0 $0x0  }
0x12: {  	s1 =	sld [smem:$0x3F9B];
	s0 =	simm.s32 @p0 $0x1  }
0x13: {  	[smem:$0x3FB6] =	sst s0;
	s0 =	simm.s32 @!p1 $0x0  }
0x14: {  	s2 =	sld [smem:$0x3F9A];
	s0 =	simm.s32 @p1 $0x1  }
0x15: {  	[smem:$0x3FB7] =	sst s0;
	s0 =	simm.s32 @!p2 $0x0  }
0x16: {  	s3 =	sld [smem:$0x3FDB];
	s0 =	simm.s32 @p2 $0x1  }
0x17: {  	s4 =	simm.s32 $0x1BF5;
	[smem:$0x3FB9] =	sst s0  }
0x18: {  	s0 =	sld [smem:$0x3F9C];
	_ =	swait.ge [sflag:s4], $0x0  }
0x19: {  	s7 =	sld [smem:$0x3F9D]  }
0x1a: {  	s8 =	sadd.s32 $0xFFFFE003, lr  }
0x1b: {  	s9 =	sadd.s32 $0xFFFFFEF7, lr;
	s5 =	simm.s32 $0xFFFFFFFF;
	p2 =	slt.u32 s8, $0xFFFFF086  }
0x1c: {  	p1 =	slt.u32 s9, $0xF7A;
	s5 =	simm.s32 @!p2 $0x0  }
0x1d: {  	s5 =	simm.s32 @p1 $0x1;
	p0 =	seq.s32 s7, s2  }
0x1e: {  	s7 =	smul.u32 @!p0 $0xF7A, s2;
	p2 =	seq.s32 @!p0 s5, $0x0  }
0x1f: {  	s9 =	smul.u32 $0xF7A, s1;
	s8 =	simm.s32 @!p0 $0x1BF5;
	p2 =	por !p2, p0  }
0x20: {  	[sflag:s8] =	ssyncset.s32 @!p0 $0xFFFFF086;
	s6 =	sadd.s32 @!p0 s3, s7;
	s7 =	simm.s32 @!p0 $0x108  }
0x21: {  	s3 =	sadd.s32 s3, s9;
	s6 =	sadd.s32 @!p0 $0x88, s6;
	s7 =	simm.s32 @p2 $0x1082  }
0x22: {  	[simem:s7], [sflag:s8] =	dma.local @!p0 [hbm:s6], $0xF7A  }
0x23: {  	s9 =	sor.u32 $0xD0000000, s2;
	s6 =	simm.s32 $0x108;
	_ =	swait.ge @!p0 [sflag:s8], $0x0  }
0x24: {  	s3 =	sadd.s32 $0x88, s3;
	s6 =	simm.s32 @!p1 $0x1082;
	[sflag:s4] =	ssyncset.s32 $0xFFFFF086  }
0x25: {  	[simem:s6], [sflag:s4] =	dma.local [hbm:s3], $0xF7A  }
0x26: {  	[smem:$0x3F9D] =	sst s1;
	(tag) =	ssettag s2;
	_ =	strace s9  }
0x27: {  	s1 =	sld [smem:$0x3FAD]  }
0x28: {  	s2 =	sld [smem:$0x3FAE]  }
0x29: {  	s4 =	sld [smem:$0x3FB0]  }
0x2a: {  	p0 =	seq.s32 s5, $0x0;
	s5 =	sld [smem:$0x3FB1]  }
0x2b: {  	s6 =	sld [smem:$0x3FB2]  }
0x2c: {  	s7 =	sld [smem:$0x3FB3]  }
0x2d: {  	s3 =	simm.s32 $0x108;
	s8 =	sld [smem:$0x3FB4]  }
0x2e: {  	s3 =	simm.s32 @!p0 $0x1082;
	s9 =	sld [smem:$0x3FB5]  }
0x2f: {  	lr =	sadd.s32 s0, s3;
	s0 =	sld [smem:$0x3FAC]  }
0x30: {  	s3 =	sld [smem:$0x3FAF]  }
0x31: {  	[smem:$0x3FB8] =	sst s10  }
0x32: {  	s10 =	sld [smem:$0x3FB6];
	_ =	sdelay $0x3  }
0x33: {  	p0 =	seq.s32 s10, $0x1;
	s10 =	sld [smem:$0x3FB8];
	_ =	sdelay $0x3  }
0x34: {  	[smem:$0x3FB8] =	sst s10  }
0x35: {  	s10 =	sld [smem:$0x3FB7];
	_ =	sdelay $0x3  }
0x36: {  	p1 =	seq.s32 s10, $0x1;
	s10 =	sld [smem:$0x3FB8];
	_ =	sdelay $0x3  }
0x37: {  	[smem:$0x3FB8] =	sst s10  }
0x38: {  	s10 =	sld [smem:$0x3FB9]  }
0x39: {  	_ = 	snop;
	(pc) =	sbr.ind lr, $3  }
0x3a: {  	_ = 	snop  }
0x3b: {  	_ = 	snop  }
0x3c: {  	p2 =	seq.s32 s10, $0x1;
	s10 =	sld [smem:$0x3FB8]  }
0x3d: {  	_ =	shalt  }
0x3e: {  	_ =	shalt  }
0x3f: {  	_ =	shalt  }
0x40: {  	_ =	shalt  }
0x41: {  	_ =	shalt  }
0x42: {  	_ =	shalt  }
0x43: {  	_ =	shalt  }
0x44: {  	_ =	shalt  }
0x45: {  	_ =	shalt  }
0x46: {  	_ =	shalt  }
0x47: {  	_ =	shalt  }
0x48: {  	_ =	shalt  }
0x49: {  	_ =	shalt  }
0x4a: {  	_ =	shalt  }
0x4b: {  	_ =	shalt  }
0x4c: {  	_ =	shalt  }
0x4d: {  	_ =	shalt  }
0x4e: {  	_ =	shalt  }
0x4f: {  	_ =	shalt  }
0x50: {  	_ =	shalt  }
0x51: {  	_ =	shalt  }
0x52: {  	_ =	shalt  }
0x53: {  	_ =	shalt  }
0x54: {  	_ =	shalt  }
0x55: {  	_ =	shalt  }
0x56: {  	_ =	shalt  }
0x57: {  	_ =	shalt  }
0x58: {  	_ =	shalt  }
0x59: {  	_ =	shalt  }
0x5a: {  	_ =	shalt  }
0x5b: {  	_ =	shalt  }
0x5c: {  	_ =	shalt  }
0x5d: {  	_ =	shalt  }
0x5e: {  	_ =	shalt  }
0x5f: {  	_ =	shalt  }
0x60: {  	_ =	shalt  }
0x61: {  	_ =	shalt  }
0x62: {  	_ =	shalt  }
0x63: {  	_ =	shalt  }
0x64: {  	_ =	shalt  }
0x65: {  	_ =	shalt  }
0x66: {  	_ =	shalt  }
0x67: {  	_ =	shalt  }
0x68: {  	_ =	shalt  }
0x69: {  	_ =	shalt  }
0x6a: {  	_ =	shalt  }
0x6b: {  	_ =	shalt  }
0x6c: {  	_ =	shalt  }
0x6d: {  	_ =	shalt  }
0x6e: {  	_ =	shalt  }
0x6f: {  	_ =	shalt  }
0x70: {  	_ =	shalt  }
0x71: {  	_ =	shalt  }
0x72: {  	_ =	shalt  }
0x73: {  	_ =	shalt  }
0x74: {  	_ =	shalt  }
0x75: {  	_ =	shalt  }
0x76: {  	_ =	shalt  }
0x77: {  	_ =	shalt  }
0x78: {  	_ =	shalt  }
0x79: {  	_ =	shalt  }
0x7a: {  	_ =	shalt  }
0x7b: {  	_ =	shalt  }
0x7c: {  	_ =	shalt  }
0x7d: {  	_ =	shalt  }
0x7e: {  	_ =	shalt  }
0x7f: {  	_ =	shalt  }
0x80: {  	_ =	shalt  }
0x81: {  	_ =	shalt  }
0x82: {  	_ =	shalt  }
0x83: {  	_ =	shalt  }
0x84: {  	_ =	shalt  }
0x85: {  	_ =	shalt  }
0x86: {  	_ =	shalt  }
0x87: {  	_ =	shalt  }
.Lfunc_end0:
.L_simem_size_0:
called_computation.1_lowered:
.L_overlay_start_0:
0x88: {  	s2 =	sld [smem:$0x3FD9]  }
0x89: {  	s3 =	sld [smem:$0x3FFE];
	_ =	sdelay $0x1  }
0x8a: {  	s1 =	srdreg.scid  }
0x8b: {  	s0 =	sand.u32 $0x1, s1  }
0x8c: {  	s16 =	sshll.u32 s0, $0xA;
	s2 =	sadd.s32 s3, s2  }
0x8d: {  	s2 =	sadd.s32 s2, s16  }
0x8e: {  	[smem:$0x3FC4] =	sst s2  }
0x8f: {  	_ = 	snop  }
0x90: {  	(tm) =	ssettm $0x1  }
0x91: {  	s17 =	sld [smem:$0x3FFB];
	_ =	sdelay $0x3  }
0x92: {  	_ =	strace s17  }
0x93: {  	s2 =	sld [smem:$0x3FFC];
	_ =	sdelay $0x3  }
0x94: {  	_ =	strace s2  }
0x95: {  	s2 =	sld [smem:$0x3FFD];
	_ =	sdelay $0x3  }
0x96: {  	_ =	strace s2  }
0x97: {  	_ =	strace $0x8FFFFFFF  }
0x98: {  	s18 =	sld [smem:$0x3FDB];
	_ =	sdelay $0x1  }
0x99: {  	s19 =	simm.s32 $_scs_section_size  }
0x9a: {  	s4 =	simm.s32 $_size__tile_overlayer_lowered;
	s5 =	simm.s32 $_tile_overlayer_lowered  }
0x9b: {  	s22 =	simm.s32 $0x1BFF;
	s21 =	sshll.u32 s5, $0x1;
	s2 =	sadd.s32 s19, s18  }
0x9c: {  	s6 =	simm.s32 $0x0;
	s20 =	sshll.u32 s4, $0x1;
	s4 =	sadd.s32 s21, s2  }
0x9d: {  	[timem:s6], [sflag:s22] =	dma.local [hbm:s4], s20  }
0x9e: {  	_ =	swait.ge [sflag:s22], s20  }
0x9f: {  	s3 =	ssub.s32 $0x0, s20;
	[sflag:s22] =	ssyncset.done $0x0  }
0xa0: {  	[sflag:s22] =	ssyncadd.s32 s3;
	_ =	sdelay $0x1  }
0xa1: {  	s23 =	simm.s32 $0x1B8B  }
0xa2: {  	_ =	swait.ge [sflag:s23], $0x1  }
0xa3: {  	[sflag:s23] =	ssyncset.done $0x0  }
0xa4: {  	s25 =	simm.s32 $0x1B8E;
	s24 =	sld [smem:$0x3FFE];
	[sflag:s23] =	ssyncadd.s32 $0xFFFFFFFF  }
0xa5: {  	s26 =	simm.s32 $execute0_lowered;
	[smem:$0x3FD2] =	sst s25  }
0xa6: {  	s4 =	sshll.u32 s26, $0x1;
	_ =	strace $0x80000049;
	[dreg:$0x1] =	wrdreg $0xFFFFFFFF  }
0xa7: {  	s28 =	simm.s32 $_size_execute0_lowered;
	s2 =	sadd.s32 s2, s4;
	[dreg:$0x0] =	wrdreg $0x0  }
0xa8: {  	s4 =	sshll.u32 s28, $0x1;
	[dreg:$0x2] =	wrdreg s2  }
0xa9: {  	[dreg:$0x3] =	wrdreg s4  }
0xaa: {  	[dreg:$0x4] =	wrdreg $0xC0  }
0xab: {  	_ =	task [dreg:s6], $0x5FFFF  }
0xac: {  	[dreg:$0x1] =	wrdreg $0xFFFFFFFF  }
0xad: {  	[dreg:$0x0] =	wrdreg $0x60  }
0xae: {  	[dreg:$0x2] =	wrdreg s24  }
0xaf: {  	[dreg:$0x3] =	wrdreg $0x9  }
0xb0: {  	_ =	task.clear_ibuf [dreg:s6], $0x4FFFF;
	_ =	strace $0x90000049  }
0xb1: {  	s29 =	simm.s32 $0x9;
	_ =	strace $0x8000004B  }
0xb2: {  	_ =	swait.ge [sflag:s29], $0x1  }
0xb3: {  	[sflag:s29] =	ssyncadd.s32 $0xFFFFFFFF  }
0xb4: {  	_ =	strace $0x9000004B  }
0xb5: {  	_ =	sfence  }
0xb6: {  	s30 =	sld [smem:$0x0];
	_ =	sdelay $0x2  }
0xb7: {  	s31 =	sshll.u32 s1, $0xD;
	s1 =	sshrl.u32 s1, $0x2  }
0xb8: {  	s3 =	sand.u32 $0x4000, s31;
	s1 =	sadd.s32 s1, s30  }
0xb9: {  	s0 =	sor.u32 s3, s0;
	s1 =	sshll.u32 s1, $0x11  }
0xba: {  	s0 =	sor.u32 s1, s0  }
0xbb: {  	s0 =	sadd.s32 $0x8F2B, s0  }
0xbc: {  	[sflag:s0] =	ssyncadd.remote.s32 $0x1  }
0xbd: {  	_ =	sfence.sel $0xFFFF  }
0xbe: {  	[dreg:$0x0] =	wrdreg $0xFFFFFFFF;
	(pc) =	sbr.abs _section_cstart, $3  }
0xbf: {  	[dreg:$0x1] =	wrdreg $0xFFFFFFFF  }
0xc0: {  	_ =	task.clear_ibuf [dreg:s6], $0x2FFFF;
	_ =	strace $0x9FFFFFFF  }
0xc1: {  	(tm) =	ssettm $0x7FFFFFFF  }
tec
execute0_lowered:
.L_overlay_start_1:
0x0: {  	(tag) =	ssettag $0x1  }
0x1: {  	s1 =	srdreg.scid  }
0x2: {  	s0 =	stileid.u32;
	s5 =	sand.u32 $0x1, s1  }
0x3: {  	s7 =	sshll.u32 s0, $0xA;
	s2 =	sshll.u32 s5, $0x9  }
0x4: {  	s6 =	sor.u32 s2, s7  }
0x5: {  	v0 =	vlaneseq.u32;
	s1 =	sor.u32 $0x10, s6;
	v1 =	vmov s6  }
0x6: {  	v31 =	vmul.u32 $0x80, v0;
	s2 =	sor.u32 $0x30, s6;
	s3 =	sor.u32 $0x40, s6;
	s9 =	sor.u32 $0x50, s6;
	v0 =	vmov s1;
	v1 =	vshll.u32 v1, $0x7  }
0x7: {  	s10 =	sor.u32 $0x60, s6;
	s11 =	sor.u32 $0x70, s6;
	s12 =	sor.u32 $0x80, s6;
	v3 =	vmov s2;
	v4 =	vmov s3;
	v5 =	vmov s9  }
0x8: {  	s13 =	sor.u32 $0x90, s6;
	s14 =	sor.u32 $0xA0, s6;
	s15 =	sor.u32 $0xB0, s6;
	v6 =	vmov s10;
	v7 =	vmov s11;
	v8 =	vmov s12  }
0x9: {  	s16 =	sor.u32 $0xC0, s6;
	s17 =	sor.u32 $0xD0, s6;
	s18 =	sor.u32 $0xE0, s6;
	v9 =	vmov s13;
	v10 =	vmov s14;
	v11 =	vmov s15  }
0xa: {  	s4 =	sor.u32 $0xF0, s6;
	s19 =	sor.u32 $0x110, s6;
	s22 =	sor.u32 $0x140, s6;
	v12 =	vmov s16;
	v13 =	vmov s17;
	v14 =	vmov s18  }
0xb: {  	s24 =	sor.u32 $0x170, s6;
	s25 =	sor.u32 $0x180, s6;
	s26 =	sor.u32 $0x190, s6;
	v15 =	vmov s4;
	v17 =	vmov s19;
	v20 =	vmov s22  }
0xc: {  	s29 =	sor.u32 $0x1A0, s6;
	s30 =	sor.u32 $0x1B0, s6;
	s31 =	sor.u32 $0x1C0, s6;
	v23 =	vmov s24;
	v24 =	vmov s25;
	v25 =	vmov s26  }
0xd: {  	v26 =	vmov s29;
	v27 =	vmov s30;
	v28 =	vmov s31  }
0xe: {  	v2 =	vshll.u32 v0, $0x7;
	v0 =	vor.u32 v31, v1;
	v3 =	vshll.u32 v3, $0x7  }
0xf: {  	v4 =	vshll.u32 v4, $0x7;
	v5 =	vshll.u32 v5, $0x7;
	v6 =	vshll.u32 v6, $0x7  }
0x10: {  	v7 =	vshll.u32 v7, $0x7;
	v8 =	vshll.u32 v8, $0x7;
	v9 =	vshll.u32 v9, $0x7  }
0x11: {  	v10 =	vshll.u32 v10, $0x7;
	v11 =	vshll.u32 v11, $0x7;
	v12 =	vshll.u32 v12, $0x7  }
0x12: {  	s9 =	sor.u32 $0x120, s6;
	s10 =	sor.u32 $0x130, s6;
	v13 =	vshll.u32 v13, $0x7;
	v14 =	vshll.u32 v14, $0x7;
	v15 =	vshll.u32 v15, $0x7  }
0x13: {  	s11 =	sor.u32 $0x150, s6;
	s12 =	sor.u32 $0x160, s6;
	v18 =	vmov s9;
	v19 =	vmov s10;
	v17 =	vshll.u32 v17, $0x7  }
0x14: {  	v21 =	vmov s11;
	v22 =	vmov s12;
	v20 =	vshll.u32 v20, $0x7  }
0x15: {  	v23 =	vshll.u32 v23, $0x7;
	v24 =	vshll.u32 v24, $0x7;
	v25 =	vshll.u32 v25, $0x7  }
0x16: {  	s8 =	sor.u32 $0x20, s6;
	s19 =	sor.u32 $0x1D0, s6;
	v26 =	vshll.u32 v26, $0x7;
	v27 =	vshll.u32 v27, $0x7;
	v28 =	vshll.u32 v28, $0x7  }
0x17: {  	v29 =	vmov s19;
	v1 =	vor.u32 v31, v2;
	v2 =	vmov s8  }
0x18: {  	s5 =	ssub.s32 $0x2, s5;
	v3 =	vor.u32 v31, v3;
	v4 =	vor.u32 v31, v4;
	v5 =	vor.u32 v31, v5  }
0x19: {  	s28 =	simm.s32 $0x3E00;
	s7 =	rddreg [dreg:$0x0];
	s23 =	sshrl.u32 s5, $0x1;
	v6 =	vor.u32 v31, v6;
	v7 =	vor.u32 v31, v7;
	v8 =	vor.u32 v31, v8  }
0x1a: {  	s20 =	sshrl.u32 s6, $0x3;
	s21 =	sshll.u32 s6, $0x1;
	s1 =	rddreg [dreg:$0x1];
	v9 =	vor.u32 v31, v9;
	v10 =	vor.u32 v31, v10;
	v11 =	vor.u32 v31, v11  }
0x1b: {  	s2 =	simm.s32 $0x0;
	s3 =	sadd.s32 $0x1A00, s7;
	s4 =	sadd.s32 $0x402200, s7;
	v12 =	vor.u32 v31, v12;
	v13 =	vor.u32 v31, v13;
	v14 =	vor.u32 v31, v14  }
0x1c: {  	s13 =	simm.s32 $0x1;
	s14 =	simm.s32 $0x400;
	s15 =	simm.s32 $0x2600;
	v15 =	vor.u32 v31, v15;
	v18 =	vshll.u32 v18, $0x7;
	v19 =	vshll.u32 v19, $0x7  }
0x1d: {  	s16 =	simm.s32 $0x280;
	s17 =	simm.s32 $0xE00;
	s18 =	simm.s32 $0x480;
	v17 =	vor.u32 v31, v17;
	v21 =	vshll.u32 v21, $0x7;
	v22 =	vshll.u32 v22, $0x7  }
0x1e: {  	s22 =	simm.s32 $0x500;
	s24 =	simm.s32 $0x380;
	s25 =	simm.s32 $0x1E00;
	v20 =	vor.u32 v31, v20;
	v23 =	vor.u32 v31, v23;
	v24 =	vor.u32 v31, v24  }
0x1f: {  	s26 =	simm.s32 $0x580;
	[smem:$0x7FF] =	sst s2;
	s9 =	ssub.s32 s5, s23;
	v25 =	vor.u32 v31, v25;
	v26 =	vor.u32 v31, v26;
	v27 =	vor.u32 v31, v27  }
0x20: {  	s11 =	simm.s32 $0x200;
	s12 =	simm.s32 $0x600;
	s8 =	sor.u32 $0x100, s6;
	v28 =	vor.u32 v31, v28;
	v29 =	vshll.u32 v29, $0x7;
	v2 =	vshll.u32 v2, $0x7  }
0x21: {  	s19 =	simm.s32 $0x2E00;
	s23 =	simm.s32 $0x3600;
	v16 =	vmov s8;
	v18 =	vor.u32 v31, v18;
	v19 =	vor.u32 v31, v19;
	s8 =	sadd.s32 s20, s7  }
0x22: {  	s7 =	sadd.s32 s21, s7;
	v21 =	vor.u32 v31, v21;
	v22 =	vor.u32 v31, v22;
	s20 =	sor.u32 $0x1E0, s6;
	s21 =	sor.u32 $0x1F0, s6;
	v29 =	vor.u32 v31, v29  }
0x23: {  	s10 =	simm.s32 $0x80;
	_ =	strace $0x8000004A;
	v2 =	vor.u32 v31, v2;
	s5 =	sadd.s32 $0x401A00, s8;
	v30 =	vmov s20;
	v32 =	vmov s21  }
0x24: {  	v16 =	vshll.u32 v16, $0x7;
	s6 =	sadd.s32 $0x403200, s7;
	s7 =	sadd.s32 $0x40B200, s7;
	s8 =	smax.u32 s9, $0x1;
	v30 =	vshll.u32 v30, $0x7;
	v32 =	vshll.u32 v32, $0x7  }
0x25: {  	s9 =	simm.s32 $0x2;
	s20 =	simm.s32 $0x300;
	s21 =	simm.s32 $0x1600;
	v16 =	vor.u32 v31, v16;
	v30 =	vor.u32 v31, v30;
	v31 =	vor.u32 v31, v32  }
.LBB2_1:
0x26: {  	[tilespmem:s2], [sflag:$0x2] =	stream.linear.gather [hbm4b:s5+s2], $0x200, $0x38;
	[tilespmem:$0x4600] =	vst v63  }
0x27: {  	_ =	swait.ge [sflag:s9], $0x200  }
0x28: {  	[sflag:s9] =	ssyncset.done $0x0  }
0x29: {  	[sflag:s9] =	ssyncadd.s32 $0xFFFFFE00  }
0x2a: {  	v32 =	vld [tilespmem:$0x0]  }
0x2b: {  	v33 =	vld [tilespmem:$0x10]  }
0x2c: {  	v34 =	vld [tilespmem:$0x20]  }
0x2d: {  	v36 =	vld [tilespmem:$0x30]  }
0x2e: {  	v55 =	vld [tilespmem:$0x40]  }
0x2f: {  	v57 =	vld [tilespmem:$0x50];
	[tilespmem:$0x400] =	vst v32  }
0x30: {  	v59 =	vld [tilespmem:$0x60];
	[tilespmem:$0x410] =	vst v33  }
0x31: {  	v61 =	vld [tilespmem:$0x70];
	[tilespmem:$0x420] =	vst v34  }
0x32: {  	v63 =	vld [tilespmem:$0x80];
	[tilespmem:$0x430] =	vst v36  }
0x33: {  	v41 =	vld [tilespmem:$0x90];
	[tilespmem:$0x440] =	vst v55  }
0x34: {  	v43 =	vld [tilespmem:$0xA0];
	[tilespmem:$0x450] =	vst v57  }
0x35: {  	v45 =	vld [tilespmem:$0xB0];
	[tilespmem:$0x460] =	vst v59  }
0x36: {  	v47 =	vld [tilespmem:$0xC0];
	[tilespmem:$0x470] =	vst v61  }
0x37: {  	v49 =	vld [tilespmem:$0xD0];
	[tilespmem:$0x480] =	vst v63  }
0x38: {  	v51 =	vld [tilespmem:$0xE0];
	[tilespmem:$0x490] =	vst v41  }
0x39: {  	[tilespmem:$0x4A0] =	vst v43  }
0x3a: {  	[tilespmem:$0x4B0] =	vst v45  }
0x3b: {  	[tilespmem:$0x4C0] =	vst v47  }
0x3c: {  	v35 =	vshrl.u32 v32, $0x4;
	[tilespmem:$0x4D0] =	vst v49  }
0x3d: {  	v53 =	vshrl.u32 v33, $0x4;
	[tilespmem:$0x4E0] =	vst v51;
	v35 =	vadd.s32 v0, v35  }
0x3e: {  	v56 =	vshrl.u32 v34, $0x4;
	v54 =	vadd.s32 v1, v53;
	[tilespmem:$0x200] =	vst v35  }
0x3f: {  	v58 =	vshrl.u32 v36, $0x4;
	v60 =	vshrl.u32 v55, $0x4;
	v55 =	vld [tilespmem:$0x100];
	v32 =	vadd.s32 v2, v56;
	[tilespmem:$0x210] =	vst v54  }
0x40: {  	v62 =	vshrl.u32 v57, $0x4;
	v57 =	vld [tilespmem:$0x110];
	[tilespmem:$0x220] =	vst v32;
	v32 =	vadd.s32 v3, v58  }
0x41: {  	v40 =	vshrl.u32 v59, $0x4;
	v59 =	vld [tilespmem:$0x120];
	[tilespmem:$0x230] =	vst v32;
	v32 =	vadd.s32 v4, v60  }
0x42: {  	v42 =	vshrl.u32 v61, $0x4;
	v61 =	vld [tilespmem:$0x130];
	[tilespmem:$0x240] =	vst v32;
	v32 =	vadd.s32 v5, v62  }
0x43: {  	v44 =	vshrl.u32 v63, $0x4;
	v63 =	vld [tilespmem:$0x140];
	[tilespmem:$0x250] =	vst v32  }
0x44: {  	[tilespmem:$0x500] =	vst v55  }
0x45: {  	v53 =	vld [tilespmem:$0xF0];
	[tilespmem:$0x510] =	vst v57  }
0x46: {  	[tilespmem:$0x520] =	vst v59  }
0x47: {  	[tilespmem:$0x530] =	vst v61  }
0x48: {  	v32 =	vadd.s32 v6, v40;
	[tilespmem:$0x540] =	vst v63  }
0x49: {  	[tilespmem:$0x260] =	vst v32  }
0x4a: {  	v40 =	vld [tilespmem:$0x150];
	v32 =	vadd.s32 v7, v42;
	[tilespmem:$0x4F0] =	vst v53  }
0x4b: {  	v46 =	vshrl.u32 v41, $0x4;
	[tilespmem:$0x270] =	vst v32;
	v32 =	vadd.s32 v8, v44  }
0x4c: {  	v48 =	vshrl.u32 v43, $0x4;
	v42 =	vld [tilespmem:$0x160];
	[tilespmem:$0x280] =	vst v32;
	v32 =	vadd.s32 v9, v46  }
0x4d: {  	[tilespmem:$0x290] =	vst v32;
	v32 =	vadd.s32 v10, v48  }
0x4e: {  	v50 =	vshrl.u32 v45, $0x4;
	v44 =	vld [tilespmem:$0x170];
	[tilespmem:$0x2A0] =	vst v32  }
0x4f: {  	v32 =	vadd.s32 v11, v50;
	[tilespmem:$0x550] =	vst v40  }
0x50: {  	v52 =	vshrl.u32 v47, $0x4;
	v46 =	vld [tilespmem:$0x180];
	[tilespmem:$0x2B0] =	vst v32  }
0x51: {  	v32 =	vadd.s32 v12, v52;
	[tilespmem:$0x560] =	vst v42  }
0x52: {  	v54 =	vshrl.u32 v49, $0x4;
	v48 =	vld [tilespmem:$0x190];
	[tilespmem:$0x2C0] =	vst v32  }
0x53: {  	v32 =	vadd.s32 v13, v54;
	[tilespmem:$0x570] =	vst v44  }
0x54: {  	v56 =	vshrl.u32 v51, $0x4;
	v50 =	vld [tilespmem:$0x1A0];
	[tilespmem:$0x2D0] =	vst v32  }
0x55: {  	v32 =	vadd.s32 v14, v56;
	[tilespmem:$0x580] =	vst v46  }
0x56: {  	v58 =	vshrl.u32 v53, $0x4;
	v52 =	vld [tilespmem:$0x1B0];
	[tilespmem:$0x2E0] =	vst v32  }
0x57: {  	v32 =	vadd.s32 v15, v58;
	[tilespmem:$0x590] =	vst v48  }
0x58: {  	v60 =	vshrl.u32 v55, $0x4;
	v54 =	vld [tilespmem:$0x1C0];
	[tilespmem:$0x2F0] =	vst v32  }
0x59: {  	v32 =	vadd.s32 v16, v60;
	[tilespmem:$0x5A0] =	vst v50  }
0x5a: {  	v62 =	vshrl.u32 v57, $0x4;
	v56 =	vld [tilespmem:$0x1D0];
	[tilespmem:$0x300] =	vst v32  }
0x5b: {  	v32 =	vadd.s32 v17, v62;
	[tilespmem:$0x5B0] =	vst v52  }
0x5c: {  	v39 =	vshrl.u32 v59, $0x4;
	v58 =	vld [tilespmem:$0x1E0];
	[tilespmem:$0x310] =	vst v32  }
0x5d: {  	v32 =	vadd.s32 v18, v39;
	[tilespmem:$0x5C0] =	vst v54  }
0x5e: {  	v41 =	vshrl.u32 v61, $0x4;
	v60 =	vld [tilespmem:$0x1F0];
	[tilespmem:$0x320] =	vst v32  }
0x5f: {  	v32 =	vadd.s32 v19, v41;
	[tilespmem:$0x5D0] =	vst v56  }
0x60: {  	v43 =	vshrl.u32 v63, $0x4;
	[tilespmem:$0x330] =	vst v32  }
0x61: {  	v32 =	vadd.s32 v20, v43;
	[tilespmem:$0x5E0] =	vst v58  }
0x62: {  	v45 =	vshrl.u32 v40, $0x4;
	[tilespmem:$0x340] =	vst v32  }
0x63: {  	v47 =	vshrl.u32 v42, $0x4;
	v32 =	vadd.s32 v21, v45;
	[tilespmem:$0x5F0] =	vst v60  }
0x64: {  	v49 =	vshrl.u32 v44, $0x4;
	[tilespmem:$0x350] =	vst v32;
	v32 =	vadd.s32 v22, v47  }
0x65: {  	v51 =	vshrl.u32 v46, $0x4;
	[tilespmem:$0x360] =	vst v32;
	v32 =	vadd.s32 v23, v49  }
0x66: {  	v53 =	vshrl.u32 v48, $0x4;
	[tilespmem:$0x370] =	vst v32;
	v32 =	vadd.s32 v24, v51  }
0x67: {  	v55 =	vshrl.u32 v50, $0x4;
	[tilespmem:$0x380] =	vst v32;
	v32 =	vadd.s32 v25, v53  }
0x68: {  	v57 =	vshrl.u32 v52, $0x4;
	[tilespmem:$0x390] =	vst v32;
	v32 =	vadd.s32 v26, v55  }
0x69: {  	v59 =	vshrl.u32 v54, $0x4;
	[tilespmem:$0x3A0] =	vst v32;
	v32 =	vadd.s32 v27, v57  }
0x6a: {  	v61 =	vshrl.u32 v56, $0x4;
	[tilespmem:$0x3B0] =	vst v32;
	v32 =	vadd.s32 v28, v59  }
0x6b: {  	v62 =	vshrl.u32 v58, $0x4;
	[tilespmem:$0x3C0] =	vst v32;
	v32 =	vadd.s32 v29, v61  }
0x6c: {  	v63 =	vshrl.u32 v60, $0x4;
	[tilespmem:$0x3D0] =	vst v32;
	v32 =	vadd.s32 v30, v62  }
0x6d: {  	[tilespmem:$0x3E0] =	vst v32;
	v32 =	vadd.s32 v31, v63  }
0x6e: {  	[tilespmem:$0x3F0] =	vst v32  }
0x6f: {  	[tilespmem:s12], [sflag:$0x1] =	stream.indirect.gather [hbm4b:s3+s10], $0x10, s11, s10, $0xb8;
	[tilespmem:$0x4600] =	vst v63  }
0x70: {  	_ =	swait.ge [sflag:s13], $0x800  }
0x71: {  	[sflag:s13] =	ssyncset.done $0x0  }
0x72: {  	[sflag:s13] =	ssyncadd.s32 $0xFFFFF800  }
0x73: {  	[tilespmem:s15], [sflag:$0x1] =	stream.indirect.gather [hbm4b:s4+s10], $0x10, s14, s10, $0xb8;
	[tilespmem:$0x4600] =	vst v63  }
0x74: {  	_ =	swait.ge [sflag:s13], $0x800  }
0x75: {  	[sflag:s13] =	ssyncset.done $0x0  }
0x76: {  	[sflag:s13] =	ssyncadd.s32 $0xFFFFF800  }
0x77: {  	[tilespmem:s17], [sflag:$0x1] =	stream.indirect.gather [hbm4b:s3+s10], $0x10, s16, s10, $0xb8;
	[tilespmem:$0x4600] =	vst v63  }
0x78: {  	_ =	swait.ge [sflag:s13], $0x800  }
0x79: {  	[sflag:s13] =	ssyncset.done $0x0  }
0x7a: {  	[sflag:s13] =	ssyncadd.s32 $0xFFFFF800  }
0x7b: {  	[tilespmem:s19], [sflag:$0x1] =	stream.indirect.gather [hbm4b:s4+s10], $0x10, s18, s10, $0xb8;
	[tilespmem:$0x4600] =	vst v63  }
0x7c: {  	_ =	swait.ge [sflag:s13], $0x800  }
0x7d: {  	[sflag:s13] =	ssyncset.done $0x0  }
0x7e: {  	[sflag:s13] =	ssyncadd.s32 $0xFFFFF800  }
0x7f: {  	[tilespmem:s21], [sflag:$0x1] =	stream.indirect.gather [hbm4b:s3+s10], $0x10, s20, s10, $0xb8;
	[tilespmem:$0x4600] =	vst v63  }
0x80: {  	_ =	swait.ge [sflag:s13], $0x800  }
0x81: {  	[sflag:s13] =	ssyncset.done $0x0  }
0x82: {  	[sflag:s13] =	ssyncadd.s32 $0xFFFFF800  }
0x83: {  	[tilespmem:s23], [sflag:$0x1] =	stream.indirect.gather [hbm4b:s4+s10], $0x10, s22, s10, $0xb8;
	[tilespmem:$0x4600] =	vst v63  }
0x84: {  	_ =	swait.ge [sflag:s13], $0x800  }
0x85: {  	[sflag:s13] =	ssyncset.done $0x0  }
0x86: {  	[sflag:s13] =	ssyncadd.s32 $0xFFFFF800  }
0x87: {  	[tilespmem:s25], [sflag:$0x1] =	stream.indirect.gather [hbm4b:s3+s10], $0x10, s24, s10, $0xb8;
	[tilespmem:$0x4600] =	vst v63  }
0x88: {  	_ =	swait.ge [sflag:s13], $0x800  }
0x89: {  	[sflag:s13] =	ssyncset.done $0x0  }
0x8a: {  	[sflag:s13] =	ssyncadd.s32 $0xFFFFF800  }
0x8b: {  	[tilespmem:s28], [sflag:$0x1] =	stream.indirect.gather [hbm4b:s4+s10], $0x10, s26, s10, $0xb8;
	[tilespmem:$0x4600] =	vst v63  }
0x8c: {  	_ =	swait.ge [sflag:s13], $0x800  }
0x8d: {  	[sflag:s13] =	ssyncset.done $0x0  }
0x8e: {  	[sflag:s13] =	ssyncadd.s32 $0xFFFFF800  }
0x8f: {  	[hbm4b:s6+s2] =	stream.linear.scatter [tilespmem:s12], [sflag:$0x2], $0x2000, $0x38;
	[tilespmem:$0x4600] =	vst v63  }
0x90: {  	_ =	swait.ge [sflag:s9], $0x2000  }
0x91: {  	p0 =	sne.s32 s8, $0x1;
	[sflag:s9] =	ssyncset.done $0x0  }
.Ltmp0:
0x92: {  	[sflag:s9] =	ssyncadd.s32 $0xFFFFE000;
	(pc) =	sbr.rel @p0 .LBB2_1-.Ltmp0, $4  }
0x93: {  	[hbm4b:s7+s2] =	stream.linear.scatter [tilespmem:s15], [sflag:$0x2], $0x2000, $0x38;
	[tilespmem:$0x4600] =	vst v63  }
0x94: {  	_ =	swait.ge [sflag:s9], $0x2000  }
0x95: {  	[sflag:s9] =	ssyncset.done $0x0  }
0x96: {  	s8 =	sadd.s32 $0xFFFFFFFF, s8;
	[sflag:s9] =	ssyncadd.s32 $0xFFFFE000  }
0x97: {  	_ =	sfence.sel $0x180000  }
0x98: {  	[bflag:$0x0] =	sbarrier.arrive $0xFFFF  }
0x99: {  	p0 =	sne.s32 s0, $0x0;
	_ =	strace $0x9000004A  }
0x9a: {  	s0 =	sadd.s32 @!p0 $0x100000, s1;
	[bflag:$0x2] =	sbarrier.arrive $0xFFFF  }
0x9b: {  	[sflag:s0] =	ssyncadd.tile.s32 @!p0 $0x1;
	_ =	shalt  }
.Lfunc_end2:
_tile_overlayer_lowered:
.L_overlay_start_2:
0x9c: {  	(tag) =	ssettag $0x2  }
0x9d: {  	s0 =	rddreg [dreg:$0x0];
	s2 =	stileid.u32  }
0x9e: {  	s1 =	rddreg [dreg:$0x1];
	p0 =	sne.s32 s2, $0x0  }
0x9f: {  	s3 =	rddreg [dreg:$0x2];
	[bflag:$0x3] =	sbarrier.arrive $0xFFFF;
	s2 =	simm.s32 @!p0 $0x1C02  }
0xa0: {  	[timem:s3], [sflag:s2] =	dma.local @!p0 [hbm:s0], s1  }
0xa1: {  	s0 =	simm.s32 @!p0 $0x2  }
0xa2: {  	_ =	swait.ge @!p0 [sflag:s0], s1  }
0xa3: {  	s1 =	ssub.s32 @!p0 $0x0, s1;
	[sflag:s0] =	ssyncset.done @!p0 $0x0  }
0xa4: {  	[sflag:s0] =	ssyncadd.s32 @!p0 s1  }
0xa5: {  	[bflag:$0x3] =	sbarrier.arrive $0xFFFF  }
0xa6: {  	_ =	shalt  }

// kernel: sparse-core-data-format-call.cloned.1.call-start
scs
called_computation_lowered:
.L_overlay_start_0:
0x0: {  	s2 =	sld [smem:$0x3FD9]  }
0x1: {  	s3 =	sld [smem:$0x3FFE];
	_ =	sdelay $0x1  }
0x2: {  	s1 =	srdreg.scid  }
0x3: {  	s0 =	sand.u32 $0x1, s1  }
0x4: {  	s18 =	sshll.u32 s0, $0xA;
	s2 =	sadd.s32 s3, s2  }
0x5: {  	s2 =	sadd.s32 s2, s18  }
0x6: {  	[smem:$0x3FC4] =	sst s2  }
0x7: {  	_ = 	snop  }
0x8: {  	s2 =	sld [smem:$0x3FC8];
	(tm) =	ssettm $0x1  }
0x9: {  	s19 =	sld [smem:$0x3FFB];
	_ =	sdelay $0x3  }
0xa: {  	_ =	strace s19  }
0xb: {  	s3 =	sld [smem:$0x3FFC];
	_ =	sdelay $0x3  }
0xc: {  	_ =	strace s3  }
0xd: {  	s3 =	sld [smem:$0x3FFD];
	_ =	sdelay $0x3  }
0xe: {  	_ =	strace s3  }
0xf: {  	_ =	strace $0x8FFFFFFF  }
0x10: {  	s20 =	sld [smem:$0x3FDB];
	_ =	sdelay $0x1  }
0x11: {  	s4 =	simm.s32 $_scs_section_size  }
0x12: {  	s5 =	simm.s32 $_size__tile_overlayer_lowered;
	s6 =	simm.s32 $_tile_overlayer_lowered  }
0x13: {  	s23 =	simm.s32 $0x1BFF;
	s22 =	sshll.u32 s6, $0x1;
	s3 =	sadd.s32 s4, s20  }
0x14: {  	s7 =	simm.s32 $0x0;
	s21 =	sshll.u32 s5, $0x1;
	s5 =	sadd.s32 s22, s3  }
0x15: {  	[timem:s7], [sflag:s23] =	dma.local [hbm:s5], s21  }
0x16: {  	_ =	swait.ge [sflag:s23], s21  }
0x17: {  	s4 =	ssub.s32 $0x0, s21;
	[sflag:s23] =	ssyncset.done $0x0  }
0x18: {  	[sflag:s23] =	ssyncadd.s32 s4;
	_ =	sdelay $0x1  }
0x19: {  	s24 =	simm.s32 $0x1B8B  }
0x1a: {  	_ =	swait.ge [sflag:s24], $0x1  }
0x1b: {  	[sflag:s24] =	ssyncset.done $0x0  }
0x1c: {  	s26 =	simm.s32 $0x1B8E;
	s25 =	sld [smem:$0x3FFE];
	[sflag:s24] =	ssyncadd.s32 $0xFFFFFFFF  }
0x1d: {  	s27 =	simm.s32 $execute0_lowered;
	[smem:$0x3FD2] =	sst s26  }
0x1e: {  	s5 =	sshll.u32 s27, $0x1;
	_ =	strace $0x80000046;
	[dreg:$0x1] =	wrdreg $0xFFFFFFFF  }
0x1f: {  	s28 =	simm.s32 $_size_execute0_lowered;
	s3 =	sadd.s32 s3, s5;
	[dreg:$0x0] =	wrdreg $0x0  }
0x20: {  	s5 =	sshll.u32 s28, $0x1;
	[dreg:$0x2] =	wrdreg s3  }
0x21: {  	[dreg:$0x3] =	wrdreg s5  }
0x22: {  	[dreg:$0x4] =	wrdreg $0xC0  }
0x23: {  	_ =	task [dreg:s7], $0x5FFFF  }
0x24: {  	[dreg:$0x1] =	wrdreg $0xFFFFFFFF  }
0x25: {  	[dreg:$0x0] =	wrdreg $0x60  }
0x26: {  	[dreg:$0x2] =	wrdreg s2  }
0x27: {  	[dreg:$0x3] =	wrdreg s25  }
0x28: {  	[dreg:$0x4] =	wrdreg $0x9  }
0x29: {  	_ =	task.clear_ibuf [dreg:s7], $0x5FFFF;
	_ =	strace $0x90000046  }
0x2a: {  	s29 =	simm.s32 $0x9;
	_ =	strace $0x80000048  }
0x2b: {  	_ =	swait.ge [sflag:s29], $0x1  }
0x2c: {  	[sflag:s29] =	ssyncadd.s32 $0xFFFFFFFF  }
0x2d: {  	_ =	strace $0x90000048  }
0x2e: {  	_ =	sfence  }
0x2f: {  	s30 =	sld [smem:$0x0];
	_ =	sdelay $0x2  }
0x30: {  	s31 =	sshll.u32 s1, $0xD;
	s1 =	sshrl.u32 s1, $0x2  }
0x31: {  	s3 =	sand.u32 $0x4000, s31;
	s1 =	sadd.s32 s1, s30  }
0x32: {  	s0 =	sor.u32 s3, s0;
	s1 =	sshll.u32 s1, $0x11  }
0x33: {  	s0 =	sor.u32 s1, s0  }
0x34: {  	s0 =	sadd.s32 $0x8F2B, s0  }
0x35: {  	[sflag:s0] =	ssyncadd.remote.s32 $0x1  }
0x36: {  	_ =	sfence.sel $0xFFFF  }
0x37: {  	[dreg:$0x0] =	wrdreg $0xFFFFFFFF;
	(pc) =	sbr.abs _section_cstart, $3  }
0x38: {  	[dreg:$0x1] =	wrdreg $0xFFFFFFFF  }
0x39: {  	_ =	task.clear_ibuf [dreg:s7], $0x2FFFF;
	_ =	strace $0x9FFFFFFF  }
0x3a: {  	(tm) =	ssettm $0x7FFFFFFF  }
0x3b: {  	_ =	shalt  }
tec
execute0_lowered:
.L_overlay_start_1:
0x0: {  	(tag) =	ssettag $0x1  }
0x1: {  	s2 =	rddreg [dreg:$0x0]  }
0x2: {  	s1 =	rddreg [dreg:$0x1]  }
0x3: {  	s0 =	rddreg [dreg:$0x2];
	_ =	strace $0x80000047;
	s4 =	srdreg.scid  }
.Ltmp0:
0x4: {  	s6 =	simm.s32 $0x2;
	p0 =	por $0x0, $0x0;
	(pc) =	sbr.rel .LBB1_1-.Ltmp0, $4  }
0x5: {  	s9 =	simm.s32 $0x0;
	s3 =	sadd.s32 $0x1A00, s1;
	s5 =	sshll.u32 s4, $0x4  }
0x6: {  	s1 =	stileid.u32;
	s4 =	simm.s32 $0x1;
	s5 =	sand.u32 $0x10, s5  }
0x7: {  	s7 =	simm.s32 $0x0;
	[sflag:s4] =	ssyncpa.u1 $0x0;
	s5 =	sor.u32 s1, s5  }
0x8: {  	[sflag:s6] =	ssyncpa.u1 $0x0;
	s6 =	simm.s32 $0x0;
	s8 =	smov.u32 s5  }
.LBB1_7:
0x9: {  	s11 =	sadd.s32 $0x20, s8  }
0xa: {  	p1 =	slt.u32 s7, $0x2;
	s7 =	sadd.s32 $0x1, s7;
	p2 =	sgt.s32 s11, $0x7FF  }
0xb: {  	s11 =	smov.u32 @p2 s5;
	p2 =	sne.s32 s7, $0x42  }
.Ltmp1:
0xc: {  	_ = 	snop;
	(pc) =	sbr.rel @!p2 .LBB1_8-.Ltmp1, $4  }
0xd: {  	s10 =	simm.s32 @!p1 $0x2  }
0xe: {  	_ =	swait.ge @!p1 [sflag:s10], $0x4000  }
0xf: {  	s9 =	smov.u32 s8;
	[sflag:s10] =	ssyncset.done @!p1 $0x0  }
0x10: {  	p0 =	por !p0, !p0;
	s8 =	smov.u32 s11;
	[sflag:s10] =	ssyncadd.s32 @!p1 $0xFFFFC000  }
.LBB1_1:
0x11: {  	p1 =	sgt.u32 s7, $0x3F  }
0x12: {  	s10 =	sxor.u32 @!p1 $0xFFFFFFFF, s7  }
0x13: {  	s11 =	sshll.u32 @!p1 s8, $0xB;
	s10 =	sshll.u32 @!p1 s10, $0xE  }
0x14: {  	s12 =	simm.s32 @!p1 $0x0;
	s11 =	sadd.s32 @!p1 s2, s11;
	s10 =	sand.u32 @!p1 $0x4000, s10  }
0x15: {  	[tilespmem:s10], [sflag:$0x1] =	stream.linear.gather @!p1 [hbm4b:s11+s12], $0x4000, $0x38;
	[tilespmem:$0x10000] =	vst v63  }
0x16: {  	p1 =	seq.s32 s7, $0x0  }
0x17: {  	p2 =	seq.s32 @!p1 s7, $0x41  }
0x18: {  	p1 =	por p1, p2  }
.Ltmp2:
0x19: {  	_ = 	snop;
	(pc) =	sbr.rel @p1 .LBB1_7-.Ltmp2, $1  }
0x1a: {  	_ =	sdelay $0x3  }
0x1b: {  	s10 =	simm.s32 $0x1;
	_ =	swait.ge [sflag:s4], $0x4000;
	s12 =	sshll.u32 s7, $0xE  }
0x1c: {  	s13 =	simm.s32 $0x0;
	s10 =	simm.s32 @!p0 $0x0;
	[sflag:s4] =	ssyncset.done $0x0  }
0x1d: {  	s12 =	sand.u32 $0x4000, s12;
	s11 =	sshll.u32 s10, $0xE;
	[sflag:s4] =	ssyncadd.s32 $0xFFFFC000  }
0x1e: {  	s12 =	sor.u32 $0x8000, s12;
	s10 =	sor.u32 $0x8040, s11;
	s11 =	sor.u32 $0x40, s11  }
.LBB1_3:
0x1f: {  	v0 =	vmov s11;
	_ =	sdelay $0x3  }
0x20: {  	s15 =	simm.s32 $0x0  }
0x21: {  	v6 =	vld.idx.msk [tilespmem:v0+s15+$0x30 ss:$0x1], $0xffff  }
0x22: {  	v7 =	vld.idx.msk [tilespmem:v0+s15+$0xFFFFFFC0 ss:$0x1], $0xffff  }
0x23: {  	v5 =	vld.idx.msk [tilespmem:v0+s15+$0xFFFFFFD0 ss:$0x1], $0xffff  }
0x24: {  	v4 =	vld.idx.msk [tilespmem:v0+s15+$0xFFFFFFE0 ss:$0x1], $0xffff  }
0x25: {  	v3 =	vld.idx.msk [tilespmem:v0+s15+$0xFFFFFFF0 ss:$0x1], $0xffff  }
0x26: {  	v1 =	vld.idx.msk [tilespmem:v0+s15+$0x0 ss:$0x1], $0xffff  }
0x27: {  	v2 =	vld.idx.msk [tilespmem:v0+s15+$0x10 ss:$0x1], $0xffff;
	[tilespmem:s10+$0x30] =	vst v6  }
0x28: {  	s14 =	simm.s32 $0x80;
	s16 =	simm.s32 $0x400;
	[tilespmem:s10+$0xFFFFFFC0] =	vst v7;
	v6 =	vld.idx.msk [tilespmem:v0+s15+$0x20 ss:$0x1], $0xffff;
	s15 =	smov.u32 s10  }
.LBB1_4:
0x29: {  	p1 =	sne.s32 s16, $0xE00;
	v7 =	vld.idx.msk [tilespmem:v0+s14+$0x30 ss:$0x1], $0xffff;
	[tilespmem:s15+$0xFFFFFFD0] =	vst v5  }
0x2a: {  	v8 =	vld.idx.msk [tilespmem:v0+s14+$0xFFFFFFC0 ss:$0x1], $0xffff;
	[tilespmem:s15+$0xFFFFFFE0] =	vst v4  }
0x2b: {  	v5 =	vld.idx.msk [tilespmem:v0+s14+$0xFFFFFFD0 ss:$0x1], $0xffff;
	[tilespmem:s15+$0xFFFFFFF0] =	vst v3  }
.Ltmp3:
0x2c: {  	v4 =	vld.idx.msk [tilespmem:v0+s14+$0xFFFFFFE0 ss:$0x1], $0xffff;
	[tilespmem:s15+$0x0] =	vst v1;
	(pc) =	sbr.rel @p1 .LBB1_4-.Ltmp3, $4  }
0x2d: {  	v3 =	vld.idx.msk [tilespmem:v0+s14+$0xFFFFFFF0 ss:$0x1], $0xffff;
	[tilespmem:s15+$0x10] =	vst v2  }
0x2e: {  	v1 =	vld.idx.msk [tilespmem:v0+s14+$0x0 ss:$0x1], $0xffff;
	[tilespmem:s15+$0x20] =	vst v6;
	s15 =	sadd.s32 $0x800, s15  }
0x2f: {  	v2 =	vld.idx.msk [tilespmem:v0+s14+$0x10 ss:$0x1], $0xffff;
	[tilespmem:s15+$0x30] =	vst v7  }
0x30: {  	[tilespmem:s15+$0xFFFFFFC0] =	vst v8;
	v6 =	vld.idx.msk [tilespmem:v0+s14+$0x20 ss:$0x1], $0xffff;
	s14 =	sshra.s32 s16, $0x2;
	s16 =	sadd.s32 $0x200, s16  }
0x31: {  	_ =	sdelay $0x2  }
0x32: {  	[tilespmem:s15+$0xFFFFFFD0] =	vst v5  }
0x33: {  	v56 =	vld.idx.msk [tilespmem:v0+s14+$0x30 ss:$0x1], $0xffff;
	[tilespmem:s15+$0xFFFFFFE0] =	vst v4  }
0x34: {  	v57 =	vld.idx.msk [tilespmem:v0+s14+$0xFFFFFFC0 ss:$0x1], $0xffff;
	[tilespmem:s15+$0xFFFFFFF0] =	vst v3  }
0x35: {  	v58 =	vld.idx.msk [tilespmem:v0+s14+$0xFFFFFFD0 ss:$0x1], $0xffff;
	[tilespmem:s15+$0x0] =	vst v1  }
0x36: {  	v59 =	vld.idx.msk [tilespmem:v0+s14+$0xFFFFFFE0 ss:$0x1], $0xffff;
	[tilespmem:s15+$0x10] =	vst v2  }
0x37: {  	v60 =	vld.idx.msk [tilespmem:v0+s14+$0xFFFFFFF0 ss:$0x1], $0xffff;
	s31 =	sadd.s32 $0x800, s15;
	[tilespmem:s15+$0x20] =	vst v6  }
0x38: {  	v61 =	vld.idx.msk [tilespmem:v0+s14+$0x0 ss:$0x1], $0xffff;
	[tilespmem:s31+$0x30] =	vst v56  }
0x39: {  	v62 =	vld.idx.msk [tilespmem:v0+s14+$0x10 ss:$0x1], $0xffff;
	s13 =	sadd.s32 $0x1, s13;
	[tilespmem:s31+$0xFFFFFFC0] =	vst v57  }
0x3a: {  	v63 =	vld.idx.msk [tilespmem:v0+s14+$0x20 ss:$0x1], $0xffff;
	p1 =	sne.s32 s13, $0x10;
	[tilespmem:s31+$0xFFFFFFD0] =	vst v58  }
.Ltmp4:
0x3b: {  	[tilespmem:s31+$0xFFFFFFE0] =	vst v59;
	(pc) =	sbr.rel @p1 .LBB1_3-.Ltmp4, $4  }
0x3c: {  	[tilespmem:s31+$0xFFFFFFF0] =	vst v60  }
0x3d: {  	[tilespmem:s31+$0x0] =	vst v61  }
0x3e: {  	[tilespmem:s31+$0x10] =	vst v62  }
0x3f: {  	s10 =	sadd.s32 $0x80, s10;
	s11 =	sadd.s32 $0x400, s11;
	[tilespmem:s31+$0x20] =	vst v63  }
.Ltmp5:
0x40: {  	(pc) =	sbr.rel .LBB1_7-.Ltmp5, $4  }
0x41: {  	_ = 	snop  }
0x42: {  	s9 =	sshll.u32 s9, $0xB  }
0x43: {  	s9 =	sadd.s32 s3, s9  }
0x44: {  	[hbm4b:s9+s6] =	stream.linear.scatter [tilespmem:s12], [sflag:$0x2], $0x4000, $0x38;
	[tilespmem:$0x10000] =	vst v63  }
.LBB1_8:
0x45: {  	_ =	sfence.sel $0x180000  }
0x46: {  	s2 =	simm.s32 $0x1;
	[bflag:$0x0] =	sbarrier.arrive $0xFFFF  }
0x47: {  	s31 =	simm.s32 $0x2;
	[sflag:s2] =	ssyncpa.u1 $0x1  }
0x48: {  	[sflag:s31] =	ssyncpa.u1 $0x1  }
0x49: {  	p0 =	sne.s32 s1, $0x0;
	_ =	strace $0x90000047  }
0x4a: {  	s0 =	sadd.s32 @!p0 $0x100000, s0;
	[bflag:$0x2] =	sbarrier.arrive $0xFFFF  }
0x4b: {  	[sflag:s0] =	ssyncadd.tile.s32 @!p0 $0x1;
	_ =	shalt  }
.Lfunc_end1:
_tile_overlayer_lowered:
.L_overlay_start_2:
0x4c: {  	(tag) =	ssettag $0x2  }
0x4d: {  	s0 =	rddreg [dreg:$0x0];
	s2 =	stileid.u32  }
0x4e: {  	s1 =	rddreg [dreg:$0x1];
	p0 =	sne.s32 s2, $0x0  }
0x4f: {  	s3 =	rddreg [dreg:$0x2];
	[bflag:$0x3] =	sbarrier.arrive $0xFFFF;
	s2 =	simm.s32 @!p0 $0x1C01  }
0x50: {  	[timem:s3], [sflag:s2] =	dma.local @!p0 [hbm:s0], s1  }
0x51: {  	s0 =	simm.s32 @!p0 $0x1  }
0x52: {  	_ =	swait.ge @!p0 [sflag:s0], s1  }
0x53: {  	s1 =	ssub.s32 @!p0 $0x0, s1;
	[sflag:s0] =	ssyncset.done @!p0 $0x0  }
0x54: {  	[sflag:s0] =	ssyncadd.s32 @!p0 s1  }
0x55: {  	[bflag:$0x3] =	sbarrier.arrive $0xFFFF  }
0x56: {  	_ =	shalt  }

</sc_bundles>
